<compile_context>
chip_gen: v7x
topology: tpu7x:2x2x1
jax: 0.10.2.dev20260603
libtpu: 0.0.44.dev20260713+nightly
codegen_flags: <defaults>
</compile_context>

<pallas_src>
import functools

import jax
import jax.numpy as jnp
from jax import lax
from jax.experimental import pallas as pl
from jax.experimental.pallas import tpu as pltpu
from jax.experimental.pallas import tpu_sc as plsc

BATCH = 64
SEQ = 2048
D_IN = 1024
D_PROJ = 256

_NUM_W = 16
_ROWS_PER_W = 4


def _gather_body(idx_hbm, table_hbm, out_hbm, idx_v, rows_v):
    wid = lax.axis_index("s")

    pltpu.sync_copy(idx_hbm.at[wid], idx_v)
    pltpu.sync_copy(table_hbm.at[idx_v], rows_v)
    pltpu.sync_copy(rows_v, out_hbm.at[pl.ds(wid * _ROWS_PER_W, _ROWS_PER_W)])


_gather_ends = functools.partial(
    pl.kernel,
    mesh=plsc.VectorSubcoreMesh(core_axis_name="c", subcore_axis_name="s",
                                num_cores=1),
    out_type=jax.ShapeDtypeStruct((BATCH, D_IN), jnp.float32),
    scratch_types=[
        pltpu.VMEM((_ROWS_PER_W,), jnp.int32),
        pltpu.VMEM((_ROWS_PER_W, D_IN), jnp.float32),
    ],
)(_gather_body)


def _matmul(g):
    def f(w_ref):
        return lax.dot_general(
            g, w_ref[...],
            dimension_numbers=(((1,), (1,)), ((), ())),
            preferred_element_type=jnp.float32,
        )
    return f


def _start_body(idx_ref, table_ref, w_ref, b_ref, o_ref, g_ref, sem):
    cps = []
    for i in range(BATCH):
        cp = pltpu.make_async_copy(
            table_ref.at[pl.ds(idx_ref[i], 1)], g_ref.at[pl.ds(i, 1)], sem)
        cp.start()
        cps.append(cp)
    for cp in cps:
        cp.wait()
    o_ref[...] = _matmul(g_ref[...])(w_ref) + b_ref[...]


def _final_body(g_ref, w_ref, b_ref, start_ref, o_ref):
    o_ref[:, :D_PROJ] = start_ref[...]
    o_ref[:, D_PROJ:] = _matmul(g_ref[...])(w_ref) + b_ref[...]


def kernel(encoded_input, start_ids, end_ids, W, b):
    table = encoded_input.reshape(BATCH * SEQ, D_IN)
    offs = jnp.arange(BATCH, dtype=jnp.int32) * SEQ
    idx_start = start_ids.astype(jnp.int32) + offs
    idx_end = (end_ids.reshape(_NUM_W, _ROWS_PER_W).astype(jnp.int32)
               + offs.reshape(_NUM_W, _ROWS_PER_W))
    b2 = b.reshape(1, D_PROJ)

    gathered_ends = _gather_ends(idx_end, table)

    start_half = pl.pallas_call(
        _start_body,
        in_specs=[
            pl.BlockSpec(memory_space=pltpu.SMEM),
            pl.BlockSpec(memory_space=pltpu.MemorySpace.HBM),
            pl.BlockSpec(memory_space=pltpu.VMEM),
            pl.BlockSpec(memory_space=pltpu.VMEM),
        ],
        out_shape=jax.ShapeDtypeStruct((BATCH, D_PROJ), jnp.float32),
        scratch_shapes=[
            pltpu.VMEM((BATCH, D_IN), jnp.float32),
            pltpu.SemaphoreType.DMA,
        ],
    )(idx_start, table, W, b2)

    return pl.pallas_call(
        _final_body,
        out_shape=jax.ShapeDtypeStruct((BATCH, 2 * D_PROJ), jnp.float32),
    )(gathered_ends, W, b2, start_half)

# --- scband reference (transcript-rebuilt; emitter-appended) ---
"""Pipeline reference for scband-end-point-repr-54949811585223 (READ-ONLY COPY).

The authoritative reference and input builder live on the scoring server;
editing this copy changes nothing except your own understanding.
"""

import jax, jax.numpy as jnp
import numpy as np

BATCH = 64
SEQ = 2048
D_IN = 1024
D_PROJ = 256


def setup_inputs(seed: int = 0) -> dict:
    key = jax.random.key(seed)
    k1, k2, k3, k4 = jax.random.split(key, 4)
    encoded_input = jax.random.normal(k1, (BATCH, SEQ, D_IN), dtype=jnp.float32)
    start_ids = jax.random.randint(k2, (BATCH,), 0, SEQ)
    end_ids = jax.random.randint(k3, (BATCH,), 0, SEQ)
    # nn.Linear(input_dim, proj_dim): weight [proj_dim, in], bias [proj_dim]
    W = jax.random.normal(k4, (D_PROJ, D_IN), dtype=jnp.float32) * (1.0 / np.sqrt(D_IN))
    b = jnp.zeros((D_PROJ,), dtype=jnp.float32)
    return {"encoded_input": encoded_input, "start_ids": start_ids, "end_ids": end_ids, "W": W, "b": b}


def reference(encoded_input, start_ids, end_ids, W, b):
    # use_proj=True: project first
    h = jnp.einsum('bsd,pd->bsp', encoded_input, W) + b
    batch_size = h.shape[0]
    ar = jnp.arange(batch_size)
    start_repr = h[ar, start_ids, :]
    end_repr = h[ar, end_ids, :]
    span_repr = jnp.concatenate([start_repr, end_repr], axis=1)
    return span_repr

if __name__ == "__main__":
    import jax
    _d = setup_inputs()
    print(jax.jit(kernel)(*tuple(_d.values())))

</pallas_src>

<mosaic_0001>
#map = affine_map<(d0, d1) -> (0, 0)>
module attributes {stable_mosaic.version = 14 : i64} {
  func.func @_gather_body(%arg0: i32, %arg1: i32, %arg2: memref<16x4xi32, #tpu.memory_space<hbm>>, %arg3: memref<131072x1024xf32, #tpu.memory_space<hbm>>, %arg4: memref<64x1024xf32, #tpu.memory_space<hbm>>, %arg5: memref<4xi32, #tpu.memory_space<vmem>>, %arg6: memref<4x1024xf32, #tpu.memory_space<vmem>>) attributes {dimension_semantics = [#tpu.dimension_semantics<core_parallel>, #tpu.dimension_semantics<subcore_parallel>], iteration_bounds = array<i64: 1, 16>, scalar_prefetch = 0 : i64, scratch_operands = 2 : i64, tpu.core_type = #tpu.core_type<sc_vector_subcore>, window_params = [{transform_indices = #map}, {transform_indices = #map}, {transform_indices = #map}]} {
    "tpu.region"() ({
      %run_scoped3A = tpu.sem_alloc : memref<!tpu.dma_semaphore, #tpu.memory_space<semaphore_mem>>
      %dma_start3A = arith.constant 0 : i32
      %dma_start3A_1 = tpu.memref_slice %arg2[%arg1, %dma_start3A] : memref<16x4xi32, #tpu.memory_space<hbm>> -> memref<1x4xi32, #tpu.memory_space<hbm>>
      %dma_start3A_2 = tpu.memref_squeeze %dma_start3A_1 : memref<1x4xi32, #tpu.memory_space<hbm>> -> memref<4xi32, #tpu.memory_space<hbm>>
      %dma_start3A_3 = arith.constant 0 : i32
      %dma_start3A_4 = tpu.memref_slice %arg2[%arg1, %dma_start3A_3] : memref<16x4xi32, #tpu.memory_space<hbm>> -> memref<1x4xi32, #tpu.memory_space<hbm>>
      %dma_start3A_5 = tpu.memref_squeeze %dma_start3A_4 : memref<1x4xi32, #tpu.memory_space<hbm>> -> memref<4xi32, #tpu.memory_space<hbm>>
      tpu.enqueue_dma source(%dma_start3A_5 : memref<4xi32, #tpu.memory_space<hbm>>) target(%arg5 : memref<4xi32, #tpu.memory_space<vmem>>) target_semaphore(%run_scoped3A : memref<!tpu.dma_semaphore, #tpu.memory_space<semaphore_mem>>)
      %dma_wait3A = arith.constant 0 : i32
      %dma_wait3A_6 = tpu.memref_slice %arg2[%arg1, %dma_wait3A] : memref<16x4xi32, #tpu.memory_space<hbm>> -> memref<1x4xi32, #tpu.memory_space<hbm>>
      %dma_wait3A_7 = tpu.memref_squeeze %dma_wait3A_6 : memref<1x4xi32, #tpu.memory_space<hbm>> -> memref<4xi32, #tpu.memory_space<hbm>>
      %dma_wait3A_8 = arith.constant 0 : i32
      %dma_wait3A_9 = tpu.memref_slice %arg2[%arg1, %dma_wait3A_8] : memref<16x4xi32, #tpu.memory_space<hbm>> -> memref<1x4xi32, #tpu.memory_space<hbm>>
      %dma_wait3A_10 = tpu.memref_squeeze %dma_wait3A_9 : memref<1x4xi32, #tpu.memory_space<hbm>> -> memref<4xi32, #tpu.memory_space<hbm>>
      tpu.wait_dma2 semaphore(%run_scoped3A : memref<!tpu.dma_semaphore, #tpu.memory_space<semaphore_mem>>) src(%dma_wait3A_10 : memref<4xi32, #tpu.memory_space<hbm>>) dst(%arg5 : memref<4xi32, #tpu.memory_space<vmem>>)
      tpu.yield
    }) : () -> ()
    "tpu.region"() ({
      %run_scoped3A = tpu.sem_alloc : memref<!tpu.dma_semaphore, #tpu.memory_space<semaphore_mem>>
      %dma_start3A = arith.constant 0 : i32
      %dma_start3A_1 = arith.constant 0 : i32
      %dma_start3A_2 = tpu.memref_slice %arg3[%dma_start3A, %dma_start3A_1] : memref<131072x1024xf32, #tpu.memory_space<hbm>> -> memref<131072x1024xf32, #tpu.memory_space<hbm>>
      tpu.enqueue_indirect_dma source(%dma_start3A_2 : memref<131072x1024xf32, #tpu.memory_space<hbm>>) target(%arg6 : memref<4x1024xf32, #tpu.memory_space<vmem>>) offsets(%arg5 : memref<4xi32, #tpu.memory_space<vmem>>) semaphore(%run_scoped3A : memref<!tpu.dma_semaphore, #tpu.memory_space<semaphore_mem>>)
      %dma_wait3A = arith.constant 0 : i32
      %dma_wait3A_3 = arith.constant 0 : i32
      %dma_wait3A_4 = tpu.memref_slice %arg3[%dma_wait3A, %dma_wait3A_3] : memref<131072x1024xf32, #tpu.memory_space<hbm>> -> memref<131072x1024xf32, #tpu.memory_space<hbm>>
      tpu.wait_indirect_dma semaphore(%run_scoped3A : memref<!tpu.dma_semaphore, #tpu.memory_space<semaphore_mem>>) src(%dma_wait3A_4 : memref<131072x1024xf32, #tpu.memory_space<hbm>>) dst(%arg6 : memref<4x1024xf32, #tpu.memory_space<vmem>>)
      tpu.yield
    }) : () -> ()
    %mul3A = arith.constant 4 : i32
    %mul3A_0 = arith.muli %arg1, %mul3A : i32
    "tpu.region"() ({
      %run_scoped3A = tpu.sem_alloc : memref<!tpu.dma_semaphore, #tpu.memory_space<semaphore_mem>>
      %dma_start3A = arith.constant 0 : i32
      %dma_start3A_1 = tpu.memref_slice %arg4[%mul3A_0, %dma_start3A] : memref<64x1024xf32, #tpu.memory_space<hbm>> -> memref<4x1024xf32, #tpu.memory_space<hbm>>
      %dma_start3A_2 = arith.constant 0 : i32
      %dma_start3A_3 = tpu.memref_slice %arg4[%mul3A_0, %dma_start3A_2] : memref<64x1024xf32, #tpu.memory_space<hbm>> -> memref<4x1024xf32, #tpu.memory_space<hbm>>
      tpu.enqueue_dma source(%arg6 : memref<4x1024xf32, #tpu.memory_space<vmem>>) target(%dma_start3A_3 : memref<4x1024xf32, #tpu.memory_space<hbm>>) target_semaphore(%run_scoped3A : memref<!tpu.dma_semaphore, #tpu.memory_space<semaphore_mem>>)
      %dma_wait3A = arith.constant 0 : i32
      %dma_wait3A_4 = tpu.memref_slice %arg4[%mul3A_0, %dma_wait3A] : memref<64x1024xf32, #tpu.memory_space<hbm>> -> memref<4x1024xf32, #tpu.memory_space<hbm>>
      %dma_wait3A_5 = arith.constant 0 : i32
      %dma_wait3A_6 = tpu.memref_slice %arg4[%mul3A_0, %dma_wait3A_5] : memref<64x1024xf32, #tpu.memory_space<hbm>> -> memref<4x1024xf32, #tpu.memory_space<hbm>>
      tpu.wait_dma2 semaphore(%run_scoped3A : memref<!tpu.dma_semaphore, #tpu.memory_space<semaphore_mem>>) src(%arg6 : memref<4x1024xf32, #tpu.memory_space<vmem>>) dst(%dma_wait3A_6 : memref<4x1024xf32, #tpu.memory_space<hbm>>)
      tpu.yield
    }) : () -> ()
    return
  }
}

module attributes {stable_mosaic.version = 14 : i64} {
  func.func @_final_body(%arg0: memref<64x1024xf32, #tpu.memory_space<vmem>>, %arg1: memref<256x1024xf32, #tpu.memory_space<vmem>>, %arg2: memref<1x256xf32, #tpu.memory_space<vmem>>, %arg3: memref<64x256xf32, #tpu.memory_space<vmem>>, %arg4: memref<64x512xf32, #tpu.memory_space<vmem>>) attributes {dimension_semantics = [], scalar_prefetch = 0 : i64, scratch_operands = 0 : i64, tpu.core_type = #tpu.core_type<tc>} {
    %get3A = arith.constant 0 : index
    %get3A_0 = arith.constant 0 : index
    %get3A_1 = vector.load %arg3[%get3A, %get3A_0] : memref<64x256xf32, #tpu.memory_space<vmem>>, vector<64x256xf32>
    %swap3A = arith.constant 0 : index
    %swap3A_2 = arith.constant 0 : index
    %swap3A_3 = vector.load %arg4[%swap3A, %swap3A_2] : memref<64x512xf32, #tpu.memory_space<vmem>>, vector<64x256xf32>
    tpu.vector_store %arg4[%swap3A, %swap3A_2], %get3A_1 {strides = array<i32>} : memref<64x512xf32, #tpu.memory_space<vmem>>, vector<64x256xf32>,
    %get3A_4 = arith.constant 0 : index
    %get3A_5 = arith.constant 0 : index
    %get3A_6 = vector.load %arg0[%get3A_4, %get3A_5] : memref<64x1024xf32, #tpu.memory_space<vmem>>, vector<64x1024xf32>
    %get3A_7 = arith.constant 0 : index
    %get3A_8 = arith.constant 0 : index
    %get3A_9 = vector.load %arg1[%get3A_7, %get3A_8] : memref<256x1024xf32, #tpu.memory_space<vmem>>, vector<256x1024xf32>
    %dot_general3A = arith.constant dense<0.000000e+00> : vector<64x256xf32>
    %dot_general3A_10 = tpu.matmul %get3A_6, %get3A_9, %dot_general3A {dimension_numbers = #tpu.dot_dimension_numbers<[1], [1], [0], [0], [0, 0, 1, 0], [], []>, transpose_lhs_hint = false} : vector<64x1024xf32>, vector<256x1024xf32>, vector<64x256xf32> -> vector<64x256xf32>
    %get3A_11 = arith.constant 0 : index
    %get3A_12 = arith.constant 0 : index
    %get3A_13 = vector.load %arg2[%get3A_11, %get3A_12] : memref<1x256xf32, #tpu.memory_space<vmem>>, vector<1x256xf32>
    %add3A = vector.broadcast %get3A_13 : vector<1x256xf32> to vector<64x256xf32>
    %add3A_14 = arith.addf %dot_general3A_10, %add3A : vector<64x256xf32>
    %swap3A_15 = arith.constant 0 : index
    %swap3A_16 = arith.constant 256 : index
    %swap3A_17 = vector.load %arg4[%swap3A_15, %swap3A_16] : memref<64x512xf32, #tpu.memory_space<vmem>>, vector<64x256xf32>
    tpu.vector_store %arg4[%swap3A_15, %swap3A_16], %add3A_14 {strides = array<i32>} : memref<64x512xf32, #tpu.memory_space<vmem>>, vector<64x256xf32>,
    return
  }
}

module attributes {stable_mosaic.version = 14 : i64} {
  func.func @_start_body(%arg0: memref<64xi32, #tpu.memory_space<smem>>, %arg1: memref<131072x1024xf32, #tpu.memory_space<hbm>>, %arg2: memref<256x1024xf32, #tpu.memory_space<vmem>>, %arg3: memref<1x256xf32, #tpu.memory_space<vmem>>, %arg4: memref<64x256xf32, #tpu.memory_space<vmem>>, %arg5: memref<64x1024xf32, #tpu.memory_space<vmem>>, %arg6: memref<!tpu.dma_semaphore, #tpu.memory_space<semaphore_mem>>) attributes {dimension_semantics = [], scalar_prefetch = 0 : i64, scratch_operands = 2 : i64, tpu.core_type = #tpu.core_type<tc>} {
    %get3A = arith.constant 0 : index
    %get3A_0 = memref.load %arg0[%get3A] : memref<64xi32, #tpu.memory_space<smem>>
    %dma_start3A = arith.constant 0 : i32
    %dma_start3A_1 = arith.constant 0 : i32
    %dma_start3A_2 = tpu.memref_slice %arg5[%dma_start3A, %dma_start3A_1] : memref<64x1024xf32, #tpu.memory_space<vmem>> -> memref<1x1024xf32, #tpu.memory_space<vmem>>
    %dma_start3A_3 = arith.constant 0 : i32
    %dma_start3A_4 = tpu.memref_slice %arg1[%get3A_0, %dma_start3A_3] : memref<131072x1024xf32, #tpu.memory_space<hbm>> -> memref<1x1024xf32, #tpu.memory_space<hbm>>
    tpu.enqueue_dma source(%dma_start3A_4 : memref<1x1024xf32, #tpu.memory_space<hbm>>) target(%dma_start3A_2 : memref<1x1024xf32, #tpu.memory_space<vmem>>) target_semaphore(%arg6 : memref<!tpu.dma_semaphore, #tpu.memory_space<semaphore_mem>>)
    %get3A_5 = arith.constant 1 : index
    %get3A_6 = memref.load %arg0[%get3A_5] : memref<64xi32, #tpu.memory_space<smem>>
    %dma_start3A_7 = arith.constant 1 : i32
    %dma_start3A_8 = arith.constant 0 : i32
    %dma_start3A_9 = tpu.memref_slice %arg5[%dma_start3A_7, %dma_start3A_8] : memref<64x1024xf32, #tpu.memory_space<vmem>> -> memref<1x1024xf32, #tpu.memory_space<vmem>>
    %dma_start3A_10 = arith.constant 0 : i32
    %dma_start3A_11 = tpu.memref_slice %arg1[%get3A_6, %dma_start3A_10] : memref<131072x1024xf32, #tpu.memory_space<hbm>> -> memref<1x1024xf32, #tpu.memory_space<hbm>>
    tpu.enqueue_dma source(%dma_start3A_11 : memref<1x1024xf32, #tpu.memory_space<hbm>>) target(%dma_start3A_9 : memref<1x1024xf32, #tpu.memory_space<vmem>>) target_semaphore(%arg6 : memref<!tpu.dma_semaphore, #tpu.memory_space<semaphore_mem>>)
    %get3A_12 = arith.constant 2 : index
    %get3A_13 = memref.load %arg0[%get3A_12] : memref<64xi32, #tpu.memory_space<smem>>
    %dma_start3A_14 = arith.constant 2 : i32
    %dma_start3A_15 = arith.constant 0 : i32
    %dma_start3A_16 = tpu.memref_slice %arg5[%dma_start3A_14, %dma_start3A_15] : memref<64x1024xf32, #tpu.memory_space<vmem>> -> memref<1x1024xf32, #tpu.memory_space<vmem>>
    %dma_start3A_17 = arith.constant 0 : i32
    %dma_start3A_18 = tpu.memref_slice %arg1[%get3A_13, %dma_start3A_17] : memref<131072x1024xf32, #tpu.memory_space<hbm>> -> memref<1x1024xf32, #tpu.memory_space<hbm>>
    tpu.enqueue_dma source(%dma_start3A_18 : memref<1x1024xf32, #tpu.memory_space<hbm>>) target(%dma_start3A_16 : memref<1x1024xf32, #tpu.memory_space<vmem>>) target_semaphore(%arg6 : memref<!tpu.dma_semaphore, #tpu.memory_space<semaphore_mem>>)
    %get3A_19 = arith.constant 3 : index
    %get3A_20 = memref.load %arg0[%get3A_19] : memref<64xi32, #tpu.memory_space<smem>>
    %dma_start3A_21 = arith.constant 3 : i32
    %dma_start3A_22 = arith.constant 0 : i32
    %dma_start3A_23 = tpu.memref_slice %arg5[%dma_start3A_21, %dma_start3A_22] : memref<64x1024xf32, #tpu.memory_space<vmem>> -> memref<1x1024xf32, #tpu.memory_space<vmem>>
    %dma_start3A_24 = arith.constant 0 : i32
    %dma_start3A_25 = tpu.memref_slice %arg1[%get3A_20, %dma_start3A_24] : memref<131072x1024xf32, #tpu.memory_space<hbm>> -> memref<1x1024xf32, #tpu.memory_space<hbm>>
    tpu.enqueue_dma source(%dma_start3A_25 : memref<1x1024xf32, #tpu.memory_space<hbm>>) target(%dma_start3A_23 : memref<1x1024xf32, #tpu.memory_space<vmem>>) target_semaphore(%arg6 : memref<!tpu.dma_semaphore, #tpu.memory_space<semaphore_mem>>)
    %get3A_26 = arith.constant 4 : index
    %get3A_27 = memref.load %arg0[%get3A_26] : memref<64xi32, #tpu.memory_space<smem>>
    %dma_start3A_28 = arith.constant 4 : i32
    %dma_start3A_29 = arith.constant 0 : i32
    %dma_start3A_30 = tpu.memref_slice %arg5[%dma_start3A_28, %dma_start3A_29] : memref<64x1024xf32, #tpu.memory_space<vmem>> -> memref<1x1024xf32, #tpu.memory_space<vmem>>
    %dma_start3A_31 = arith.constant 0 : i32
    %dma_start3A_32 = tpu.memref_slice %arg1[%get3A_27, %dma_start3A_31] : memref<131072x1024xf32, #tpu.memory_space<hbm>> -> memref<1x1024xf32, #tpu.memory_space<hbm>>
    tpu.enqueue_dma source(%dma_start3A_32 : memref<1x1024xf32, #tpu.memory_space<hbm>>) target(%dma_start3A_30 : memref<1x1024xf32, #tpu.memory_space<vmem>>) target_semaphore(%arg6 : memref<!tpu.dma_semaphore, #tpu.memory_space<semaphore_mem>>)
    %get3A_33 = arith.constant 5 : index
    %get3A_34 = memref.load %arg0[%get3A_33] : memref<64xi32, #tpu.memory_space<smem>>
    %dma_start3A_35 = arith.constant 5 : i32
    %dma_start3A_36 = arith.constant 0 : i32
    %dma_start3A_37 = tpu.memref_slice %arg5[%dma_start3A_35, %dma_start3A_36] : memref<64x1024xf32, #tpu.memory_space<vmem>> -> memref<1x1024xf32, #tpu.memory_space<vmem>>
    %dma_start3A_38 = arith.constant 0 : i32
    %dma_start3A_39 = tpu.memref_slice %arg1[%get3A_34, %dma_start3A_38] : memref<131072x1024xf32, #tpu.memory_space<hbm>> -> memref<1x1024xf32, #tpu.memory_space<hbm>>
    tpu.enqueue_dma source(%dma_start3A_39 : memref<1x1024xf32, #tpu.memory_space<hbm>>) target(%dma_start3A_37 : memref<1x1024xf32, #tpu.memory_space<vmem>>) target_semaphore(%arg6 : memref<!tpu.dma_semaphore, #tpu.memory_space<semaphore_mem>>)
    %get3A_40 = arith.constant 6 : index
    %get3A_41 = memref.load %arg0[%get3A_40] : memref<64xi32, #tpu.memory_space<smem>>
    %dma_start3A_42 = arith.constant 6 : i32
    %dma_start3A_43 = arith.constant 0 : i32
    %dma_start3A_44 = tpu.memref_slice %arg5[%dma_start3A_42, %dma_start3A_43] : memref<64x1024xf32, #tpu.memory_space<vmem>> -> memref<1x1024xf32, #tpu.memory_space<vmem>>
    %dma_start3A_45 = arith.constant 0 : i32
    %dma_start3A_46 = tpu.memref_slice %arg1[%get3A_41, %dma_start3A_45] : memref<131072x1024xf32, #tpu.memory_space<hbm>> -> memref<1x1024xf32, #tpu.memory_space<hbm>>
    tpu.enqueue_dma source(%dma_start3A_46 : memref<1x1024xf32, #tpu.memory_space<hbm>>) target(%dma_start3A_44 : memref<1x1024xf32, #tpu.memory_space<vmem>>) target_semaphore(%arg6 : memref<!tpu.dma_semaphore, #tpu.memory_space<semaphore_mem>>)
    %get3A_47 = arith.constant 7 : index
    %get3A_48 = memref.load %arg0[%get3A_47] : memref<64xi32, #tpu.memory_space<smem>>
    %dma_start3A_49 = arith.constant 7 : i32
    %dma_start3A_50 = arith.constant 0 : i32
    %dma_start3A_51 = tpu.memref_slice %arg5[%dma_start3A_49, %dma_start3A_50] : memref<64x1024xf32, #tpu.memory_space<vmem>> -> memref<1x1024xf32, #tpu.memory_space<vmem>>
    %dma_start3A_52 = arith.constant 0 : i32
    %dma_start3A_53 = tpu.memref_slice %arg1[%get3A_48, %dma_start3A_52] : memref<131072x1024xf32, #tpu.memory_space<hbm>> -> memref<1x1024xf32, #tpu.memory_space<hbm>>
    tpu.enqueue_dma source(%dma_start3A_53 : memref<1x1024xf32, #tpu.memory_space<hbm>>) target(%dma_start3A_51 : memref<1x1024xf32, #tpu.memory_space<vmem>>) target_semaphore(%arg6 : memref<!tpu.dma_semaphore, #tpu.memory_space<semaphore_mem>>)
    %get3A_54 = arith.constant 8 : index
    %get3A_55 = memref.load %arg0[%get3A_54] : memref<64xi32, #tpu.memory_space<smem>>
    %dma_start3A_56 = arith.constant 8 : i32
    %dma_start3A_57 = arith.constant 0 : i32
    %dma_start3A_58 = tpu.memref_slice %arg5[%dma_start3A_56, %dma_start3A_57] : memref<64x1024xf32, #tpu.memory_space<vmem>> -> memref<1x1024xf32, #tpu.memory_space<vmem>>
    %dma_start3A_59 = arith.constant 0 : i32
    %dma_start3A_60 = tpu.memref_slice %arg1[%get3A_55, %dma_start3A_59] : memref<131072x1024xf32, #tpu.memory_space<hbm>> -> memref<1x1024xf32, #tpu.memory_space<hbm>>
    tpu.enqueue_dma source(%dma_start3A_60 : memref<1x1024xf32, #tpu.memory_space<hbm>>) target(%dma_start3A_58 : memref<1x1024xf32, #tpu.memory_space<vmem>>) target_semaphore(%arg6 : memref<!tpu.dma_semaphore, #tpu.memory_space<semaphore_mem>>)
    %get3A_61 = arith.constant 9 : index
    %get3A_62 = memref.load %arg0[%get3A_61] : memref<64xi32, #tpu.memory_space<smem>>
    %dma_start3A_63 = arith.constant 9 : i32
    %dma_start3A_64 = arith.constant 0 : i32
    %dma_start3A_65 = tpu.memref_slice %arg5[%dma_start3A_63, %dma_start3A_64] : memref<64x1024xf32, #tpu.memory_space<vmem>> -> memref<1x1024xf32, #tpu.memory_space<vmem>>
    %dma_start3A_66 = arith.constant 0 : i32
    %dma_start3A_67 = tpu.memref_slice %arg1[%get3A_62, %dma_start3A_66] : memref<131072x1024xf32, #tpu.memory_space<hbm>> -> memref<1x1024xf32, #tpu.memory_space<hbm>>
    tpu.enqueue_dma source(%dma_start3A_67 : memref<1x1024xf32, #tpu.memory_space<hbm>>) target(%dma_start3A_65 : memref<1x1024xf32, #tpu.memory_space<vmem>>) target_semaphore(%arg6 : memref<!tpu.dma_semaphore, #tpu.memory_space<semaphore_mem>>)
    %get3A_68 = arith.constant 10 : index
    %get3A_69 = memref.load %arg0[%get3A_68] : memref<64xi32, #tpu.memory_space<smem>>
    %dma_start3A_70 = arith.constant 10 : i32
    %dma_start3A_71 = arith.constant 0 : i32
    %dma_start3A_72 = tpu.memref_slice %arg5[%dma_start3A_70, %dma_start3A_71] : memref<64x1024xf32, #tpu.memory_space<vmem>> -> memref<1x1024xf32, #tpu.memory_space<vmem>>
    %dma_start3A_73 = arith.constant 0 : i32
    %dma_start3A_74 = tpu.memref_slice %arg1[%get3A_69, %dma_start3A_73] : memref<131072x1024xf32, #tpu.memory_space<hbm>> -> memref<1x1024xf32, #tpu.memory_space<hbm>>
    tpu.enqueue_dma source(%dma_start3A_74 : memref<1x1024xf32, #tpu.memory_space<hbm>>) target(%dma_start3A_72 : memref<1x1024xf32, #tpu.memory_space<vmem>>) target_semaphore(%arg6 : memref<!tpu.dma_semaphore, #tpu.memory_space<semaphore_mem>>)
    %get3A_75 = arith.constant 11 : index
    %get3A_76 = memref.load %arg0[%get3A_75] : memref<64xi32, #tpu.memory_space<smem>>
    %dma_start3A_77 = arith.constant 11 : i32
    %dma_start3A_78 = arith.constant 0 : i32
    %dma_start3A_79 = tpu.memref_slice %arg5[%dma_start3A_77, %dma_start3A_78] : memref<64x1024xf32, #tpu.memory_space<vmem>> -> memref<1x1024xf32, #tpu.memory_space<vmem>>
    %dma_start3A_80 = arith.constant 0 : i32
    %dma_start3A_81 = tpu.memref_slice %arg1[%get3A_76, %dma_start3A_80] : memref<131072x1024xf32, #tpu.memory_space<hbm>> -> memref<1x1024xf32, #tpu.memory_space<hbm>>
    tpu.enqueue_dma source(%dma_start3A_81 : memref<1x1024xf32, #tpu.memory_space<hbm>>) target(%dma_start3A_79 : memref<1x1024xf32, #tpu.memory_space<vmem>>) target_semaphore(%arg6 : memref<!tpu.dma_semaphore, #tpu.memory_space<semaphore_mem>>)
    %get3A_82 = arith.constant 12 : index
    %get3A_83 = memref.load %arg0[%get3A_82] : memref<64xi32, #tpu.memory_space<smem>>
    %dma_start3A_84 = arith.constant 12 : i32
    %dma_start3A_85 = arith.constant 0 : i32
    %dma_start3A_86 = tpu.memref_slice %arg5[%dma_start3A_84, %dma_start3A_85] : memref<64x1024xf32, #tpu.memory_space<vmem>> -> memref<1x1024xf32, #tpu.memory_space<vmem>>
    %dma_start3A_87 = arith.constant 0 : i32
    %dma_start3A_88 = tpu.memref_slice %arg1[%get3A_83, %dma_start3A_87] : memref<131072x1024xf32, #tpu.memory_space<hbm>> -> memref<1x1024xf32, #tpu.memory_space<hbm>>
    tpu.enqueue_dma source(%dma_start3A_88 : memref<1x1024xf32, #tpu.memory_space<hbm>>) target(%dma_start3A_86 : memref<1x1024xf32, #tpu.memory_space<vmem>>) target_semaphore(%arg6 : memref<!tpu.dma_semaphore, #tpu.memory_space<semaphore_mem>>)
    %get3A_89 = arith.constant 13 : index
    %get3A_90 = memref.load %arg0[%get3A_89] : memref<64xi32, #tpu.memory_space<smem>>
    %dma_start3A_91 = arith.constant 13 : i32
    %dma_start3A_92 = arith.constant 0 : i32
    %dma_start3A_93 = tpu.memref_slice %arg5[%dma_start3A_91, %dma_start3A_92] : memref<64x1024xf32, #tpu.memory_space<vmem>> -> memref<1x1024xf32, #tpu.memory_space<vmem>>
    %dma_start3A_94 = arith.constant 0 : i32
    %dma_start3A_95 = tpu.memref_slice %arg1[%get3A_90, %dma_start3A_94] : memref<131072x1024xf32, #tpu.memory_space<hbm>> -> memref<1x1024xf32, #tpu.memory_space<hbm>>
    tpu.enqueue_dma source(%dma_start3A_95 : memref<1x1024xf32, #tpu.memory_space<hbm>>) target(%dma_start3A_93 : memref<1x1024xf32, #tpu.memory_space<vmem>>) target_semaphore(%arg6 : memref<!tpu.dma_semaphore, #tpu.memory_space<semaphore_mem>>)
    %get3A_96 = arith.constant 14 : index
    %get3A_97 = memref.load %arg0[%get3A_96] : memref<64xi32, #tpu.memory_space<smem>>
    %dma_start3A_98 = arith.constant 14 : i32
    %dma_start3A_99 = arith.constant 0 : i32
    %dma_start3A_100 = tpu.memref_slice %arg5[%dma_start3A_98, %dma_start3A_99] : memref<64x1024xf32, #tpu.memory_space<vmem>> -> memref<1x1024xf32, #tpu.memory_space<vmem>>
    %dma_start3A_101 = arith.constant 0 : i32
    %dma_start3A_102 = tpu.memref_slice %arg1[%get3A_97, %dma_start3A_101] : memref<131072x1024xf32, #tpu.memory_space<hbm>> -> memref<1x1024xf32, #tpu.memory_space<hbm>>
    tpu.enqueue_dma source(%dma_start3A_102 : memref<1x1024xf32, #tpu.memory_space<hbm>>) target(%dma_start3A_100 : memref<1x1024xf32, #tpu.memory_space<vmem>>) target_semaphore(%arg6 : memref<!tpu.dma_semaphore, #tpu.memory_space<semaphore_mem>>)
    %get3A_103 = arith.constant 15 : index
    %get3A_104 = memref.load %arg0[%get3A_103] : memref<64xi32, #tpu.memory_space<smem>>
    %dma_start3A_105 = arith.constant 15 : i32
    %dma_start3A_106 = arith.constant 0 : i32
    %dma_start3A_107 = tpu.memref_slice %arg5[%dma_start3A_105, %dma_start3A_106] : memref<64x1024xf32, #tpu.memory_space<vmem>> -> memref<1x1024xf32, #tpu.memory_space<vmem>>
    %dma_start3A_108 = arith.constant 0 : i32
    %dma_start3A_109 = tpu.memref_slice %arg1[%get3A_104, %dma_start3A_108] : memref<131072x1024xf32, #tpu.memory_space<hbm>> -> memref<1x1024xf32, #tpu.memory_space<hbm>>
    tpu.enqueue_dma source(%dma_start3A_109 : memref<1x1024xf32, #tpu.memory_space<hbm>>) target(%dma_start3A_107 : memref<1x1024xf32, #tpu.memory_space<vmem>>) target_semaphore(%arg6 : memref<!tpu.dma_semaphore, #tpu.memory_space<semaphore_mem>>)
    %get3A_110 = arith.constant 16 : index
    %get3A_111 = memref.load %arg0[%get3A_110] : memref<64xi32, #tpu.memory_space<smem>>
    %dma_start3A_112 = arith.constant 16 : i32
    %dma_start3A_113 = arith.constant 0 : i32
    %dma_start3A_114 = tpu.memref_slice %arg5[%dma_start3A_112, %dma_start3A_113] : memref<64x1024xf32, #tpu.memory_space<vmem>> -> memref<1x1024xf32, #tpu.memory_space<vmem>>
    %dma_start3A_115 = arith.constant 0 : i32
    %dma_start3A_116 = tpu.memref_slice %arg1[%get3A_111, %dma_start3A_115] : memref<131072x1024xf32, #tpu.memory_space<hbm>> -> memref<1x1024xf32, #tpu.memory_space<hbm>>
    tpu.enqueue_dma source(%dma_start3A_116 : memref<1x1024xf32, #tpu.memory_space<hbm>>) target(%dma_start3A_114 : memref<1x1024xf32, #tpu.memory_space<vmem>>) target_semaphore(%arg6 : memref<!tpu.dma_semaphore, #tpu.memory_space<semaphore_mem>>)
    %get3A_117 = arith.constant 17 : index
    %get3A_118 = memref.load %arg0[%get3A_117] : memref<64xi32, #tpu.memory_space<smem>>
    %dma_start3A_119 = arith.constant 17 : i32
    %dma_start3A_120 = arith.constant 0 : i32
    %dma_start3A_121 = tpu.memref_slice %arg5[%dma_start3A_119, %dma_start3A_120] : memref<64x1024xf32, #tpu.memory_space<vmem>> -> memref<1x1024xf32, #tpu.memory_space<vmem>>
    %dma_start3A_122 = arith.constant 0 : i32
    %dma_start3A_123 = tpu.memref_slice %arg1[%get3A_118, %dma_start3A_122] : memref<131072x1024xf32, #tpu.memory_space<hbm>> -> memref<1x1024xf32, #tpu.memory_space<hbm>>
    tpu.enqueue_dma source(%dma_start3A_123 : memref<1x1024xf32, #tpu.memory_space<hbm>>) target(%dma_start3A_121 : memref<1x1024xf32, #tpu.memory_space<vmem>>) target_semaphore(%arg6 : memref<!tpu.dma_semaphore, #tpu.memory_space<semaphore_mem>>)
    %get3A_124 = arith.constant 18 : index
    %get3A_125 = memref.load %arg0[%get3A_124] : memref<64xi32, #tpu.memory_space<smem>>
    %dma_start3A_126 = arith.constant 18 : i32
    %dma_start3A_127 = arith.constant 0 : i32
    %dma_start3A_128 = tpu.memref_slice %arg5[%dma_start3A_126, %dma_start3A_127] : memref<64x1024xf32, #tpu.memory_space<vmem>> -> memref<1x1024xf32, #tpu.memory_space<vmem>>
    %dma_start3A_129 = arith.constant 0 : i32
    %dma_start3A_130 = tpu.memref_slice %arg1[%get3A_125, %dma_start3A_129] : memref<131072x1024xf32, #tpu.memory_space<hbm>> -> memref<1x1024xf32, #tpu.memory_space<hbm>>
    tpu.enqueue_dma source(%dma_start3A_130 : memref<1x1024xf32, #tpu.memory_space<hbm>>) target(%dma_start3A_128 : memref<1x1024xf32, #tpu.memory_space<vmem>>) target_semaphore(%arg6 : memref<!tpu.dma_semaphore, #tpu.memory_space<semaphore_mem>>)
    %get3A_131 = arith.constant 19 : index
    %get3A_132 = memref.load %arg0[%get3A_131] : memref<64xi32, #tpu.memory_space<smem>>
    %dma_start3A_133 = arith.constant 19 : i32
    %dma_start3A_134 = arith.constant 0 : i32
    %dma_start3A_135 = tpu.memref_slice %arg5[%dma_start3A_133, %dma_start3A_134] : memref<64x1024xf32, #tpu.memory_space<vmem>> -> memref<1x1024xf32, #tpu.memory_space<vmem>>
    %dma_start3A_136 = arith.constant 0 : i32
    %dma_start3A_137 = tpu.memref_slice %arg1[%get3A_132, %dma_start3A_136] : memref<131072x1024xf32, #tpu.memory_space<hbm>> -> memref<1x1024xf32, #tpu.memory_space<hbm>>
    tpu.enqueue_dma source(%dma_start3A_137 : memref<1x1024xf32, #tpu.memory_space<hbm>>) target(%dma_start3A_135 : memref<1x1024xf32, #tpu.memory_space<vmem>>) target_semaphore(%arg6 : memref<!tpu.dma_semaphore, #tpu.memory_space<semaphore_mem>>)
    %get3A_138 = arith.constant 20 : index
    %get3A_139 = memref.load %arg0[%get3A_138] : memref<64xi32, #tpu.memory_space<smem>>
    %dma_start3A_140 = arith.constant 20 : i32
    %dma_start3A_141 = arith.constant 0 : i32
    %dma_start3A_142 = tpu.memref_slice %arg5[%dma_start3A_140, %dma_start3A_141] : memref<64x1024xf32, #tpu.memory_space<vmem>> -> memref<1x1024xf32, #tpu.memory_space<vmem>>
    %dma_start3A_143 = arith.constant 0 : i32
    %dma_start3A_144 = tpu.memref_slice %arg1[%get3A_139, %dma_start3A_143] : memref<131072x1024xf32, #tpu.memory_space<hbm>> -> memref<1x1024xf32, #tpu.memory_space<hbm>>
    tpu.enqueue_dma source(%dma_start3A_144 : memref<1x1024xf32, #tpu.memory_space<hbm>>) target(%dma_start3A_142 : memref<1x1024xf32, #tpu.memory_space<vmem>>) target_semaphore(%arg6 : memref<!tpu.dma_semaphore, #tpu.memory_space<semaphore_mem>>)
    %get3A_145 = arith.constant 21 : index
    %get3A_146 = memref.load %arg0[%get3A_145] : memref<64xi32, #tpu.memory_space<smem>>
    %dma_start3A_147 = arith.constant 21 : i32
    %dma_start3A_148 = arith.constant 0 : i32
    %dma_start3A_149 = tpu.memref_slice %arg5[%dma_start3A_147, %dma_start3A_148] : memref<64x1024xf32, #tpu.memory_space<vmem>> -> memref<1x1024xf32, #tpu.memory_space<vmem>>
    %dma_start3A_150 = arith.constant 0 : i32
    %dma_start3A_151 = tpu.memref_slice %arg1[%get3A_146, %dma_start3A_150] : memref<131072x1024xf32, #tpu.memory_space<hbm>> -> memref<1x1024xf32, #tpu.memory_space<hbm>>
    tpu.enqueue_dma source(%dma_start3A_151 : memref<1x1024xf32, #tpu.memory_space<hbm>>) target(%dma_start3A_149 : memref<1x1024xf32, #tpu.memory_space<vmem>>) target_semaphore(%arg6 : memref<!tpu.dma_semaphore, #tpu.memory_space<semaphore_mem>>)
    %get3A_152 = arith.constant 22 : index
    %get3A_153 = memref.load %arg0[%get3A_152] : memref<64xi32, #tpu.memory_space<smem>>
    %dma_start3A_154 = arith.constant 22 : i32
    %dma_start3A_155 = arith.constant 0 : i32
    %dma_start3A_156 = tpu.memref_slice %arg5[%dma_start3A_154, %dma_start3A_155] : memref<64x1024xf32, #tpu.memory_space<vmem>> -> memref<1x1024xf32, #tpu.memory_space<vmem>>
    %dma_start3A_157 = arith.constant 0 : i32
    %dma_start3A_158 = tpu.memref_slice %arg1[%get3A_153, %dma_start3A_157] : memref<131072x1024xf32, #tpu.memory_space<hbm>> -> memref<1x1024xf32, #tpu.memory_space<hbm>>
    tpu.enqueue_dma source(%dma_start3A_158 : memref<1x1024xf32, #tpu.memory_space<hbm>>) target(%dma_start3A_156 : memref<1x1024xf32, #tpu.memory_space<vmem>>) target_semaphore(%arg6 : memref<!tpu.dma_semaphore, #tpu.memory_space<semaphore_mem>>)
    %get3A_159 = arith.constant 23 : index
    %get3A_160 = memref.load %arg0[%get3A_159] : memref<64xi32, #tpu.memory_space<smem>>
    %dma_start3A_161 = arith.constant 23 : i32
    %dma_start3A_162 = arith.constant 0 : i32
    %dma_start3A_163 = tpu.memref_slice %arg5[%dma_start3A_161, %dma_start3A_162] : memref<64x1024xf32, #tpu.memory_space<vmem>> -> memref<1x1024xf32, #tpu.memory_space<vmem>>
    %dma_start3A_164 = arith.constant 0 : i32
    %dma_start3A_165 = tpu.memref_slice %arg1[%get3A_160, %dma_start3A_164] : memref<131072x1024xf32, #tpu.memory_space<hbm>> -> memref<1x1024xf32, #tpu.memory_space<hbm>>
    tpu.enqueue_dma source(%dma_start3A_165 : memref<1x1024xf32, #tpu.memory_space<hbm>>) target(%dma_start3A_163 : memref<1x1024xf32, #tpu.memory_space<vmem>>) target_semaphore(%arg6 : memref<!tpu.dma_semaphore, #tpu.memory_space<semaphore_mem>>)
    %get3A_166 = arith.constant 24 : index
    %get3A_167 = memref.load %arg0[%get3A_166] : memref<64xi32, #tpu.memory_space<smem>>
    %dma_start3A_168 = arith.constant 24 : i32
    %dma_start3A_169 = arith.constant 0 : i32
    %dma_start3A_170 = tpu.memref_slice %arg5[%dma_start3A_168, %dma_start3A_169] : memref<64x1024xf32, #tpu.memory_space<vmem>> -> memref<1x1024xf32, #tpu.memory_space<vmem>>
    %dma_start3A_171 = arith.constant 0 : i32
    %dma_start3A_172 = tpu.memref_slice %arg1[%get3A_167, %dma_start3A_171] : memref<131072x1024xf32, #tpu.memory_space<hbm>> -> memref<1x1024xf32, #tpu.memory_space<hbm>>
    tpu.enqueue_dma source(%dma_start3A_172 : memref<1x1024xf32, #tpu.memory_space<hbm>>) target(%dma_start3A_170 : memref<1x1024xf32, #tpu.memory_space<vmem>>) target_semaphore(%arg6 : memref<!tpu.dma_semaphore, #tpu.memory_space<semaphore_mem>>)
    %get3A_173 = arith.constant 25 : index
    %get3A_174 = memref.load %arg0[%get3A_173] : memref<64xi32, #tpu.memory_space<smem>>
    %dma_start3A_175 = arith.constant 25 : i32
    %dma_start3A_176 = arith.constant 0 : i32
    %dma_start3A_177 = tpu.memref_slice %arg5[%dma_start3A_175, %dma_start3A_176] : memref<64x1024xf32, #tpu.memory_space<vmem>> -> memref<1x1024xf32, #tpu.memory_space<vmem>>
    %dma_start3A_178 = arith.constant 0 : i32
    %dma_start3A_179 = tpu.memref_slice %arg1[%get3A_174, %dma_start3A_178] : memref<131072x1024xf32, #tpu.memory_space<hbm>> -> memref<1x1024xf32, #tpu.memory_space<hbm>>
    tpu.enqueue_dma source(%dma_start3A_179 : memref<1x1024xf32, #tpu.memory_space<hbm>>) target(%dma_start3A_177 : memref<1x1024xf32, #tpu.memory_space<vmem>>) target_semaphore(%arg6 : memref<!tpu.dma_semaphore, #tpu.memory_space<semaphore_mem>>)
    %get3A_180 = arith.constant 26 : index
    %get3A_181 = memref.load %arg0[%get3A_180] : memref<64xi32, #tpu.memory_space<smem>>
    %dma_start3A_182 = arith.constant 26 : i32
    %dma_start3A_183 = arith.constant 0 : i32
    %dma_start3A_184 = tpu.memref_slice %arg5[%dma_start3A_182, %dma_start3A_183] : memref<64x1024xf32, #tpu.memory_space<vmem>> -> memref<1x1024xf32, #tpu.memory_space<vmem>>
    %dma_start3A_185 = arith.constant 0 : i32
    %dma_start3A_186 = tpu.memref_slice %arg1[%get3A_181, %dma_start3A_185] : memref<131072x1024xf32, #tpu.memory_space<hbm>> -> memref<1x1024xf32, #tpu.memory_space<hbm>>
    tpu.enqueue_dma source(%dma_start3A_186 : memref<1x1024xf32, #tpu.memory_space<hbm>>) target(%dma_start3A_184 : memref<1x1024xf32, #tpu.memory_space<vmem>>) target_semaphore(%arg6 : memref<!tpu.dma_semaphore, #tpu.memory_space<semaphore_mem>>)
    %get3A_187 = arith.constant 27 : index
    %get3A_188 = memref.load %arg0[%get3A_187] : memref<64xi32, #tpu.memory_space<smem>>
    %dma_start3A_189 = arith.constant 27 : i32
    %dma_start3A_190 = arith.constant 0 : i32
    %dma_start3A_191 = tpu.memref_slice %arg5[%dma_start3A_189, %dma_start3A_190] : memref<64x1024xf32, #tpu.memory_space<vmem>> -> memref<1x1024xf32, #tpu.memory_space<vmem>>
    %dma_start3A_192 = arith.constant 0 : i32
    %dma_start3A_193 = tpu.memref_slice %arg1[%get3A_188, %dma_start3A_192] : memref<131072x1024xf32, #tpu.memory_space<hbm>> -> memref<1x1024xf32, #tpu.memory_space<hbm>>
    tpu.enqueue_dma source(%dma_start3A_193 : memref<1x1024xf32, #tpu.memory_space<hbm>>) target(%dma_start3A_191 : memref<1x1024xf32, #tpu.memory_space<vmem>>) target_semaphore(%arg6 : memref<!tpu.dma_semaphore, #tpu.memory_space<semaphore_mem>>)
    %get3A_194 = arith.constant 28 : index
    %get3A_195 = memref.load %arg0[%get3A_194] : memref<64xi32, #tpu.memory_space<smem>>
    %dma_start3A_196 = arith.constant 28 : i32
    %dma_start3A_197 = arith.constant 0 : i32
    %dma_start3A_198 = tpu.memref_slice %arg5[%dma_start3A_196, %dma_start3A_197] : memref<64x1024xf32, #tpu.memory_space<vmem>> -> memref<1x1024xf32, #tpu.memory_space<vmem>>
    %dma_start3A_199 = arith.constant 0 : i32
    %dma_start3A_200 = tpu.memref_slice %arg1[%get3A_195, %dma_start3A_199] : memref<131072x1024xf32, #tpu.memory_space<hbm>> -> memref<1x1024xf32, #tpu.memory_space<hbm>>
    tpu.enqueue_dma source(%dma_start3A_200 : memref<1x1024xf32, #tpu.memory_space<hbm>>) target(%dma_start3A_198 : memref<1x1024xf32, #tpu.memory_space<vmem>>) target_semaphore(%arg6 : memref<!tpu.dma_semaphore, #tpu.memory_space<semaphore_mem>>)
    %get3A_201 = arith.constant 29 : index
    %get3A_202 = memref.load %arg0[%get3A_201] : memref<64xi32, #tpu.memory_space<smem>>
    %dma_start3A_203 = arith.constant 29 : i32
    %dma_start3A_204 = arith.constant 0 : i32
    %dma_start3A_205 = tpu.memref_slice %arg5[%dma_start3A_203, %dma_start3A_204] : memref<64x1024xf32, #tpu.memory_space<vmem>> -> memref<1x1024xf32, #tpu.memory_space<vmem>>
    %dma_start3A_206 = arith.constant 0 : i32
    %dma_start3A_207 = tpu.memref_slice %arg1[%get3A_202, %dma_start3A_206] : memref<131072x1024xf32, #tpu.memory_space<hbm>> -> memref<1x1024xf32, #tpu.memory_space<hbm>>
    tpu.enqueue_dma source(%dma_start3A_207 : memref<1x1024xf32, #tpu.memory_space<hbm>>) target(%dma_start3A_205 : memref<1x1024xf32, #tpu.memory_space<vmem>>) target_semaphore(%arg6 : memref<!tpu.dma_semaphore, #tpu.memory_space<semaphore_mem>>)
    %get3A_208 = arith.constant 30 : index
    %get3A_209 = memref.load %arg0[%get3A_208] : memref<64xi32, #tpu.memory_space<smem>>
    %dma_start3A_210 = arith.constant 30 : i32
    %dma_start3A_211 = arith.constant 0 : i32
    %dma_start3A_212 = tpu.memref_slice %arg5[%dma_start3A_210, %dma_start3A_211] : memref<64x1024xf32, #tpu.memory_space<vmem>> -> memref<1x1024xf32, #tpu.memory_space<vmem>>
    %dma_start3A_213 = arith.constant 0 : i32
    %dma_start3A_214 = tpu.memref_slice %arg1[%get3A_209, %dma_start3A_213] : memref<131072x1024xf32, #tpu.memory_space<hbm>> -> memref<1x1024xf32, #tpu.memory_space<hbm>>
    tpu.enqueue_dma source(%dma_start3A_214 : memref<1x1024xf32, #tpu.memory_space<hbm>>) target(%dma_start3A_212 : memref<1x1024xf32, #tpu.memory_space<vmem>>) target_semaphore(%arg6 : memref<!tpu.dma_semaphore, #tpu.memory_space<semaphore_mem>>)
    %get3A_215 = arith.constant 31 : index
    %get3A_216 = memref.load %arg0[%get3A_215] : memref<64xi32, #tpu.memory_space<smem>>
    %dma_start3A_217 = arith.constant 31 : i32
    %dma_start3A_218 = arith.constant 0 : i32
    %dma_start3A_219 = tpu.memref_slice %arg5[%dma_start3A_217, %dma_start3A_218] : memref<64x1024xf32, #tpu.memory_space<vmem>> -> memref<1x1024xf32, #tpu.memory_space<vmem>>
    %dma_start3A_220 = arith.constant 0 : i32
    %dma_start3A_221 = tpu.memref_slice %arg1[%get3A_216, %dma_start3A_220] : memref<131072x1024xf32, #tpu.memory_space<hbm>> -> memref<1x1024xf32, #tpu.memory_space<hbm>>
    tpu.enqueue_dma source(%dma_start3A_221 : memref<1x1024xf32, #tpu.memory_space<hbm>>) target(%dma_start3A_219 : memref<1x1024xf32, #tpu.memory_space<vmem>>) target_semaphore(%arg6 : memref<!tpu.dma_semaphore, #tpu.memory_space<semaphore_mem>>)
    %get3A_222 = arith.constant 32 : index
    %get3A_223 = memref.load %arg0[%get3A_222] : memref<64xi32, #tpu.memory_space<smem>>
    %dma_start3A_224 = arith.constant 32 : i32
    %dma_start3A_225 = arith.constant 0 : i32
    %dma_start3A_226 = tpu.memref_slice %arg5[%dma_start3A_224, %dma_start3A_225] : memref<64x1024xf32, #tpu.memory_space<vmem>> -> memref<1x1024xf32, #tpu.memory_space<vmem>>
    %dma_start3A_227 = arith.constant 0 : i32
    %dma_start3A_228 = tpu.memref_slice %arg1[%get3A_223, %dma_start3A_227] : memref<131072x1024xf32, #tpu.memory_space<hbm>> -> memref<1x1024xf32, #tpu.memory_space<hbm>>
    tpu.enqueue_dma source(%dma_start3A_228 : memref<1x1024xf32, #tpu.memory_space<hbm>>) target(%dma_start3A_226 : memref<1x1024xf32, #tpu.memory_space<vmem>>) target_semaphore(%arg6 : memref<!tpu.dma_semaphore, #tpu.memory_space<semaphore_mem>>)
    %get3A_229 = arith.constant 33 : index
    %get3A_230 = memref.load %arg0[%get3A_229] : memref<64xi32, #tpu.memory_space<smem>>
    %dma_start3A_231 = arith.constant 33 : i32
    %dma_start3A_232 = arith.constant 0 : i32
    %dma_start3A_233 = tpu.memref_slice %arg5[%dma_start3A_231, %dma_start3A_232] : memref<64x1024xf32, #tpu.memory_space<vmem>> -> memref<1x1024xf32, #tpu.memory_space<vmem>>
    %dma_start3A_234 = arith.constant 0 : i32
    %dma_start3A_235 = tpu.memref_slice %arg1[%get3A_230, %dma_start3A_234] : memref<131072x1024xf32, #tpu.memory_space<hbm>> -> memref<1x1024xf32, #tpu.memory_space<hbm>>
    tpu.enqueue_dma source(%dma_start3A_235 : memref<1x1024xf32, #tpu.memory_space<hbm>>) target(%dma_start3A_233 : memref<1x1024xf32, #tpu.memory_space<vmem>>) target_semaphore(%arg6 : memref<!tpu.dma_semaphore, #tpu.memory_space<semaphore_mem>>)
    %get3A_236 = arith.constant 34 : index
    %get3A_237 = memref.load %arg0[%get3A_236] : memref<64xi32, #tpu.memory_space<smem>>
    %dma_start3A_238 = arith.constant 34 : i32
    %dma_start3A_239 = arith.constant 0 : i32
    %dma_start3A_240 = tpu.memref_slice %arg5[%dma_start3A_238, %dma_start3A_239] : memref<64x1024xf32, #tpu.memory_space<vmem>> -> memref<1x1024xf32, #tpu.memory_space<vmem>>
    %dma_start3A_241 = arith.constant 0 : i32
    %dma_start3A_242 = tpu.memref_slice %arg1[%get3A_237, %dma_start3A_241] : memref<131072x1024xf32, #tpu.memory_space<hbm>> -> memref<1x1024xf32, #tpu.memory_space<hbm>>
    tpu.enqueue_dma source(%dma_start3A_242 : memref<1x1024xf32, #tpu.memory_space<hbm>>) target(%dma_start3A_240 : memref<1x1024xf32, #tpu.memory_space<vmem>>) target_semaphore(%arg6 : memref<!tpu.dma_semaphore, #tpu.memory_space<semaphore_mem>>)
    %get3A_243 = arith.constant 35 : index
    %get3A_244 = memref.load %arg0[%get3A_243] : memref<64xi32, #tpu.memory_space<smem>>
    %dma_start3A_245 = arith.constant 35 : i32
    %dma_start3A_246 = arith.constant 0 : i32
    %dma_start3A_247 = tpu.memref_slice %arg5[%dma_start3A_245, %dma_start3A_246] : memref<64x1024xf32, #tpu.memory_space<vmem>> -> memref<1x1024xf32, #tpu.memory_space<vmem>>
    %dma_start3A_248 = arith.constant 0 : i32
    %dma_start3A_249 = tpu.memref_slice %arg1[%get3A_244, %dma_start3A_248] : memref<131072x1024xf32, #tpu.memory_space<hbm>> -> memref<1x1024xf32, #tpu.memory_space<hbm>>
    tpu.enqueue_dma source(%dma_start3A_249 : memref<1x1024xf32, #tpu.memory_space<hbm>>) target(%dma_start3A_247 : memref<1x1024xf32, #tpu.memory_space<vmem>>) target_semaphore(%arg6 : memref<!tpu.dma_semaphore, #tpu.memory_space<semaphore_mem>>)
    %get3A_250 = arith.constant 36 : index
    %get3A_251 = memref.load %arg0[%get3A_250] : memref<64xi32, #tpu.memory_space<smem>>
    %dma_start3A_252 = arith.constant 36 : i32
    %dma_start3A_253 = arith.constant 0 : i32
    %dma_start3A_254 = tpu.memref_slice %arg5[%dma_start3A_252, %dma_start3A_253] : memref<64x1024xf32, #tpu.memory_space<vmem>> -> memref<1x1024xf32, #tpu.memory_space<vmem>>
    %dma_start3A_255 = arith.constant 0 : i32
    %dma_start3A_256 = tpu.memref_slice %arg1[%get3A_251, %dma_start3A_255] : memref<131072x1024xf32, #tpu.memory_space<hbm>> -> memref<1x1024xf32, #tpu.memory_space<hbm>>
    tpu.enqueue_dma source(%dma_start3A_256 : memref<1x1024xf32, #tpu.memory_space<hbm>>) target(%dma_start3A_254 : memref<1x1024xf32, #tpu.memory_space<vmem>>) target_semaphore(%arg6 : memref<!tpu.dma_semaphore, #tpu.memory_space<semaphore_mem>>)
    %get3A_257 = arith.constant 37 : index
    %get3A_258 = memref.load %arg0[%get3A_257] : memref<64xi32, #tpu.memory_space<smem>>
    %dma_start3A_259 = arith.constant 37 : i32
    %dma_start3A_260 = arith.constant 0 : i32
    %dma_start3A_261 = tpu.memref_slice %arg5[%dma_start3A_259, %dma_start3A_260] : memref<64x1024xf32, #tpu.memory_space<vmem>> -> memref<1x1024xf32, #tpu.memory_space<vmem>>
    %dma_start3A_262 = arith.constant 0 : i32
    %dma_start3A_263 = tpu.memref_slice %arg1[%get3A_258, %dma_start3A_262] : memref<131072x1024xf32, #tpu.memory_space<hbm>> -> memref<1x1024xf32, #tpu.memory_space<hbm>>
    tpu.enqueue_dma source(%dma_start3A_263 : memref<1x1024xf32, #tpu.memory_space<hbm>>) target(%dma_start3A_261 : memref<1x1024xf32, #tpu.memory_space<vmem>>) target_semaphore(%arg6 : memref<!tpu.dma_semaphore, #tpu.memory_space<semaphore_mem>>)
    %get3A_264 = arith.constant 38 : index
    %get3A_265 = memref.load %arg0[%get3A_264] : memref<64xi32, #tpu.memory_space<smem>>
    %dma_start3A_266 = arith.constant 38 : i32
    %dma_start3A_267 = arith.constant 0 : i32
    %dma_start3A_268 = tpu.memref_slice %arg5[%dma_start3A_266, %dma_start3A_267] : memref<64x1024xf32, #tpu.memory_space<vmem>> -> memref<1x1024xf32, #tpu.memory_space<vmem>>
    %dma_start3A_269 = arith.constant 0 : i32
    %dma_start3A_270 = tpu.memref_slice %arg1[%get3A_265, %dma_start3A_269] : memref<131072x1024xf32, #tpu.memory_space<hbm>> -> memref<1x1024xf32, #tpu.memory_space<hbm>>
    tpu.enqueue_dma source(%dma_start3A_270 : memref<1x1024xf32, #tpu.memory_space<hbm>>) target(%dma_start3A_268 : memref<1x1024xf32, #tpu.memory_space<vmem>>) target_semaphore(%arg6 : memref<!tpu.dma_semaphore, #tpu.memory_space<semaphore_mem>>)
    %get3A_271 = arith.constant 39 : index
    %get3A_272 = memref.load %arg0[%get3A_271] : memref<64xi32, #tpu.memory_space<smem>>
    %dma_start3A_273 = arith.constant 39 : i32
    %dma_start3A_274 = arith.constant 0 : i32
    %dma_start3A_275 = tpu.memref_slice %arg5[%dma_start3A_273, %dma_start3A_274] : memref<64x1024xf32, #tpu.memory_space<vmem>> -> memref<1x1024xf32, #tpu.memory_space<vmem>>
    %dma_start3A_276 = arith.constant 0 : i32
    %dma_start3A_277 = tpu.memref_slice %arg1[%get3A_272, %dma_start3A_276] : memref<131072x1024xf32, #tpu.memory_space<hbm>> -> memref<1x1024xf32, #tpu.memory_space<hbm>>
    tpu.enqueue_dma source(%dma_start3A_277 : memref<1x1024xf32, #tpu.memory_space<hbm>>) target(%dma_start3A_275 : memref<1x1024xf32, #tpu.memory_space<vmem>>) target_semaphore(%arg6 : memref<!tpu.dma_semaphore, #tpu.memory_space<semaphore_mem>>)
    %get3A_278 = arith.constant 40 : index
    %get3A_279 = memref.load %arg0[%get3A_278] : memref<64xi32, #tpu.memory_space<smem>>
    %dma_start3A_280 = arith.constant 40 : i32
    %dma_start3A_281 = arith.constant 0 : i32
    %dma_start3A_282 = tpu.memref_slice %arg5[%dma_start3A_280, %dma_start3A_281] : memref<64x1024xf32, #tpu.memory_space<vmem>> -> memref<1x1024xf32, #tpu.memory_space<vmem>>
    %dma_start3A_283 = arith.constant 0 : i32
    %dma_start3A_284 = tpu.memref_slice %arg1[%get3A_279, %dma_start3A_283] : memref<131072x1024xf32, #tpu.memory_space<hbm>> -> memref<1x1024xf32, #tpu.memory_space<hbm>>
    tpu.enqueue_dma source(%dma_start3A_284 : memref<1x1024xf32, #tpu.memory_space<hbm>>) target(%dma_start3A_282 : memref<1x1024xf32, #tpu.memory_space<vmem>>) target_semaphore(%arg6 : memref<!tpu.dma_semaphore, #tpu.memory_space<semaphore_mem>>)
    %get3A_285 = arith.constant 41 : index
    %get3A_286 = memref.load %arg0[%get3A_285] : memref<64xi32, #tpu.memory_space<smem>>
    %dma_start3A_287 = arith.constant 41 : i32
    %dma_start3A_288 = arith.constant 0 : i32
    %dma_start3A_289 = tpu.memref_slice %arg5[%dma_start3A_287, %dma_start3A_288] : memref<64x1024xf32, #tpu.memory_space<vmem>> -> memref<1x1024xf32, #tpu.memory_space<vmem>>
    %dma_start3A_290 = arith.constant 0 : i32
    %dma_start3A_291 = tpu.memref_slice %arg1[%get3A_286, %dma_start3A_290] : memref<131072x1024xf32, #tpu.memory_space<hbm>> -> memref<1x1024xf32, #tpu.memory_space<hbm>>
    tpu.enqueue_dma source(%dma_start3A_291 : memref<1x1024xf32, #tpu.memory_space<hbm>>) target(%dma_start3A_289 : memref<1x1024xf32, #tpu.memory_space<vmem>>) target_semaphore(%arg6 : memref<!tpu.dma_semaphore, #tpu.memory_space<semaphore_mem>>)
    %get3A_292 = arith.constant 42 : index
    %get3A_293 = memref.load %arg0[%get3A_292] : memref<64xi32, #tpu.memory_space<smem>>
    %dma_start3A_294 = arith.constant 42 : i32
    %dma_start3A_295 = arith.constant 0 : i32
    %dma_start3A_296 = tpu.memref_slice %arg5[%dma_start3A_294, %dma_start3A_295] : memref<64x1024xf32, #tpu.memory_space<vmem>> -> memref<1x1024xf32, #tpu.memory_space<vmem>>
    %dma_start3A_297 = arith.constant 0 : i32
    %dma_start3A_298 = tpu.memref_slice %arg1[%get3A_293, %dma_start3A_297] : memref<131072x1024xf32, #tpu.memory_space<hbm>> -> memref<1x1024xf32, #tpu.memory_space<hbm>>
    tpu.enqueue_dma source(%dma_start3A_298 : memref<1x1024xf32, #tpu.memory_space<hbm>>) target(%dma_start3A_296 : memref<1x1024xf32, #tpu.memory_space<vmem>>) target_semaphore(%arg6 : memref<!tpu.dma_semaphore, #tpu.memory_space<semaphore_mem>>)
    %get3A_299 = arith.constant 43 : index
    %get3A_300 = memref.load %arg0[%get3A_299] : memref<64xi32, #tpu.memory_space<smem>>
    %dma_start3A_301 = arith.constant 43 : i32
    %dma_start3A_302 = arith.constant 0 : i32
    %dma_start3A_303 = tpu.memref_slice %arg5[%dma_start3A_301, %dma_start3A_302] : memref<64x1024xf32, #tpu.memory_space<vmem>> -> memref<1x1024xf32, #tpu.memory_space<vmem>>
    %dma_start3A_304 = arith.constant 0 : i32
    %dma_start3A_305 = tpu.memref_slice %arg1[%get3A_300, %dma_start3A_304] : memref<131072x1024xf32, #tpu.memory_space<hbm>> -> memref<1x1024xf32, #tpu.memory_space<hbm>>
    tpu.enqueue_dma source(%dma_start3A_305 : memref<1x1024xf32, #tpu.memory_space<hbm>>) target(%dma_start3A_303 : memref<1x1024xf32, #tpu.memory_space<vmem>>) target_semaphore(%arg6 : memref<!tpu.dma_semaphore, #tpu.memory_space<semaphore_mem>>)
    %get3A_306 = arith.constant 44 : index
    %get3A_307 = memref.load %arg0[%get3A_306] : memref<64xi32, #tpu.memory_space<smem>>
    %dma_start3A_308 = arith.constant 44 : i32
    %dma_start3A_309 = arith.constant 0 : i32
    %dma_start3A_310 = tpu.memref_slice %arg5[%dma_start3A_308, %dma_start3A_309] : memref<64x1024xf32, #tpu.memory_space<vmem>> -> memref<1x1024xf32, #tpu.memory_space<vmem>>
    %dma_start3A_311 = arith.constant 0 : i32
    %dma_start3A_312 = tpu.memref_slice %arg1[%get3A_307, %dma_start3A_311] : memref<131072x1024xf32, #tpu.memory_space<hbm>> -> memref<1x1024xf32, #tpu.memory_space<hbm>>
    tpu.enqueue_dma source(%dma_start3A_312 : memref<1x1024xf32, #tpu.memory_space<hbm>>) target(%dma_start3A_310 : memref<1x1024xf32, #tpu.memory_space<vmem>>) target_semaphore(%arg6 : memref<!tpu.dma_semaphore, #tpu.memory_space<semaphore_mem>>)
    %get3A_313 = arith.constant 45 : index
    %get3A_314 = memref.load %arg0[%get3A_313] : memref<64xi32, #tpu.memory_space<smem>>
    %dma_start3A_315 = arith.constant 45 : i32
    %dma_start3A_316 = arith.constant 0 : i32
    %dma_start3A_317 = tpu.memref_slice %arg5[%dma_start3A_315, %dma_start3A_316] : memref<64x1024xf32, #tpu.memory_space<vmem>> -> memref<1x1024xf32, #tpu.memory_space<vmem>>
    %dma_start3A_318 = arith.constant 0 : i32
    %dma_start3A_319 = tpu.memref_slice %arg1[%get3A_314, %dma_start3A_318] : memref<131072x1024xf32, #tpu.memory_space<hbm>> -> memref<1x1024xf32, #tpu.memory_space<hbm>>
    tpu.enqueue_dma source(%dma_start3A_319 : memref<1x1024xf32, #tpu.memory_space<hbm>>) target(%dma_start3A_317 : memref<1x1024xf32, #tpu.memory_space<vmem>>) target_semaphore(%arg6 : memref<!tpu.dma_semaphore, #tpu.memory_space<semaphore_mem>>)
    %get3A_320 = arith.constant 46 : index
    %get3A_321 = memref.load %arg0[%get3A_320] : memref<64xi32, #tpu.memory_space<smem>>
    %dma_start3A_322 = arith.constant 46 : i32
    %dma_start3A_323 = arith.constant 0 : i32
    %dma_start3A_324 = tpu.memref_slice %arg5[%dma_start3A_322, %dma_start3A_323] : memref<64x1024xf32, #tpu.memory_space<vmem>> -> memref<1x1024xf32, #tpu.memory_space<vmem>>
    %dma_start3A_325 = arith.constant 0 : i32
    %dma_start3A_326 = tpu.memref_slice %arg1[%get3A_321, %dma_start3A_325] : memref<131072x1024xf32, #tpu.memory_space<hbm>> -> memref<1x1024xf32, #tpu.memory_space<hbm>>
    tpu.enqueue_dma source(%dma_start3A_326 : memref<1x1024xf32, #tpu.memory_space<hbm>>) target(%dma_start3A_324 : memref<1x1024xf32, #tpu.memory_space<vmem>>) target_semaphore(%arg6 : memref<!tpu.dma_semaphore, #tpu.memory_space<semaphore_mem>>)
    %get3A_327 = arith.constant 47 : index
    %get3A_328 = memref.load %arg0[%get3A_327] : memref<64xi32, #tpu.memory_space<smem>>
    %dma_start3A_329 = arith.constant 47 : i32
    %dma_start3A_330 = arith.constant 0 : i32
    %dma_start3A_331 = tpu.memref_slice %arg5[%dma_start3A_329, %dma_start3A_330] : memref<64x1024xf32, #tpu.memory_space<vmem>> -> memref<1x1024xf32, #tpu.memory_space<vmem>>
    %dma_start3A_332 = arith.constant 0 : i32
    %dma_start3A_333 = tpu.memref_slice %arg1[%get3A_328, %dma_start3A_332] : memref<131072x1024xf32, #tpu.memory_space<hbm>> -> memref<1x1024xf32, #tpu.memory_space<hbm>>
    tpu.enqueue_dma source(%dma_start3A_333 : memref<1x1024xf32, #tpu.memory_space<hbm>>) target(%dma_start3A_331 : memref<1x1024xf32, #tpu.memory_space<vmem>>) target_semaphore(%arg6 : memref<!tpu.dma_semaphore, #tpu.memory_space<semaphore_mem>>)
    %get3A_334 = arith.constant 48 : index
    %get3A_335 = memref.load %arg0[%get3A_334] : memref<64xi32, #tpu.memory_space<smem>>
    %dma_start3A_336 = arith.constant 48 : i32
    %dma_start3A_337 = arith.constant 0 : i32
    %dma_start3A_338 = tpu.memref_slice %arg5[%dma_start3A_336, %dma_start3A_337] : memref<64x1024xf32, #tpu.memory_space<vmem>> -> memref<1x1024xf32, #tpu.memory_space<vmem>>
    %dma_start3A_339 = arith.constant 0 : i32
    %dma_start3A_340 = tpu.memref_slice %arg1[%get3A_335, %dma_start3A_339] : memref<131072x1024xf32, #tpu.memory_space<hbm>> -> memref<1x1024xf32, #tpu.memory_space<hbm>>
    tpu.enqueue_dma source(%dma_start3A_340 : memref<1x1024xf32, #tpu.memory_space<hbm>>) target(%dma_start3A_338 : memref<1x1024xf32, #tpu.memory_space<vmem>>) target_semaphore(%arg6 : memref<!tpu.dma_semaphore, #tpu.memory_space<semaphore_mem>>)
    %get3A_341 = arith.constant 49 : index
    %get3A_342 = memref.load %arg0[%get3A_341] : memref<64xi32, #tpu.memory_space<smem>>
    %dma_start3A_343 = arith.constant 49 : i32
    %dma_start3A_344 = arith.constant 0 : i32
    %dma_start3A_345 = tpu.memref_slice %arg5[%dma_start3A_343, %dma_start3A_344] : memref<64x1024xf32, #tpu.memory_space<vmem>> -> memref<1x1024xf32, #tpu.memory_space<vmem>>
    %dma_start3A_346 = arith.constant 0 : i32
    %dma_start3A_347 = tpu.memref_slice %arg1[%get3A_342, %dma_start3A_346] : memref<131072x1024xf32, #tpu.memory_space<hbm>> -> memref<1x1024xf32, #tpu.memory_space<hbm>>
    tpu.enqueue_dma source(%dma_start3A_347 : memref<1x1024xf32, #tpu.memory_space<hbm>>) target(%dma_start3A_345 : memref<1x1024xf32, #tpu.memory_space<vmem>>) target_semaphore(%arg6 : memref<!tpu.dma_semaphore, #tpu.memory_space<semaphore_mem>>)
    %get3A_348 = arith.constant 50 : index
    %get3A_349 = memref.load %arg0[%get3A_348] : memref<64xi32, #tpu.memory_space<smem>>
    %dma_start3A_350 = arith.constant 50 : i32
    %dma_start3A_351 = arith.constant 0 : i32
    %dma_start3A_352 = tpu.memref_slice %arg5[%dma_start3A_350, %dma_start3A_351] : memref<64x1024xf32, #tpu.memory_space<vmem>> -> memref<1x1024xf32, #tpu.memory_space<vmem>>
    %dma_start3A_353 = arith.constant 0 : i32
    %dma_start3A_354 = tpu.memref_slice %arg1[%get3A_349, %dma_start3A_353] : memref<131072x1024xf32, #tpu.memory_space<hbm>> -> memref<1x1024xf32, #tpu.memory_space<hbm>>
    tpu.enqueue_dma source(%dma_start3A_354 : memref<1x1024xf32, #tpu.memory_space<hbm>>) target(%dma_start3A_352 : memref<1x1024xf32, #tpu.memory_space<vmem>>) target_semaphore(%arg6 : memref<!tpu.dma_semaphore, #tpu.memory_space<semaphore_mem>>)
    %get3A_355 = arith.constant 51 : index
    %get3A_356 = memref.load %arg0[%get3A_355] : memref<64xi32, #tpu.memory_space<smem>>
    %dma_start3A_357 = arith.constant 51 : i32
    %dma_start3A_358 = arith.constant 0 : i32
    %dma_start3A_359 = tpu.memref_slice %arg5[%dma_start3A_357, %dma_start3A_358] : memref<64x1024xf32, #tpu.memory_space<vmem>> -> memref<1x1024xf32, #tpu.memory_space<vmem>>
    %dma_start3A_360 = arith.constant 0 : i32
    %dma_start3A_361 = tpu.memref_slice %arg1[%get3A_356, %dma_start3A_360] : memref<131072x1024xf32, #tpu.memory_space<hbm>> -> memref<1x1024xf32, #tpu.memory_space<hbm>>
    tpu.enqueue_dma source(%dma_start3A_361 : memref<1x1024xf32, #tpu.memory_space<hbm>>) target(%dma_start3A_359 : memref<1x1024xf32, #tpu.memory_space<vmem>>) target_semaphore(%arg6 : memref<!tpu.dma_semaphore, #tpu.memory_space<semaphore_mem>>)
    %get3A_362 = arith.constant 52 : index
    %get3A_363 = memref.load %arg0[%get3A_362] : memref<64xi32, #tpu.memory_space<smem>>
    %dma_start3A_364 = arith.constant 52 : i32
    %dma_start3A_365 = arith.constant 0 : i32
    %dma_start3A_366 = tpu.memref_slice %arg5[%dma_start3A_364, %dma_start3A_365] : memref<64x1024xf32, #tpu.memory_space<vmem>> -> memref<1x1024xf32, #tpu.memory_space<vmem>>
    %dma_start3A_367 = arith.constant 0 : i32
    %dma_start3A_368 = tpu.memref_slice %arg1[%get3A_363, %dma_start3A_367] : memref<131072x1024xf32, #tpu.memory_space<hbm>> -> memref<1x1024xf32, #tpu.memory_space<hbm>>
    tpu.enqueue_dma source(%dma_start3A_368 : memref<1x1024xf32, #tpu.memory_space<hbm>>) target(%dma_start3A_366 : memref<1x1024xf32, #tpu.memory_space<vmem>>) target_semaphore(%arg6 : memref<!tpu.dma_semaphore, #tpu.memory_space<semaphore_mem>>)
    %get3A_369 = arith.constant 53 : index
    %get3A_370 = memref.load %arg0[%get3A_369] : memref<64xi32, #tpu.memory_space<smem>>
    %dma_start3A_371 = arith.constant 53 : i32
    %dma_start3A_372 = arith.constant 0 : i32
    %dma_start3A_373 = tpu.memref_slice %arg5[%dma_start3A_371, %dma_start3A_372] : memref<64x1024xf32, #tpu.memory_space<vmem>> -> memref<1x1024xf32, #tpu.memory_space<vmem>>
    %dma_start3A_374 = arith.constant 0 : i32
    %dma_start3A_375 = tpu.memref_slice %arg1[%get3A_370, %dma_start3A_374] : memref<131072x1024xf32, #tpu.memory_space<hbm>> -> memref<1x1024xf32, #tpu.memory_space<hbm>>
    tpu.enqueue_dma source(%dma_start3A_375 : memref<1x1024xf32, #tpu.memory_space<hbm>>) target(%dma_start3A_373 : memref<1x1024xf32, #tpu.memory_space<vmem>>) target_semaphore(%arg6 : memref<!tpu.dma_semaphore, #tpu.memory_space<semaphore_mem>>)
    %get3A_376 = arith.constant 54 : index
    %get3A_377 = memref.load %arg0[%get3A_376] : memref<64xi32, #tpu.memory_space<smem>>
    %dma_start3A_378 = arith.constant 54 : i32
    %dma_start3A_379 = arith.constant 0 : i32
    %dma_start3A_380 = tpu.memref_slice %arg5[%dma_start3A_378, %dma_start3A_379] : memref<64x1024xf32, #tpu.memory_space<vmem>> -> memref<1x1024xf32, #tpu.memory_space<vmem>>
    %dma_start3A_381 = arith.constant 0 : i32
    %dma_start3A_382 = tpu.memref_slice %arg1[%get3A_377, %dma_start3A_381] : memref<131072x1024xf32, #tpu.memory_space<hbm>> -> memref<1x1024xf32, #tpu.memory_space<hbm>>
    tpu.enqueue_dma source(%dma_start3A_382 : memref<1x1024xf32, #tpu.memory_space<hbm>>) target(%dma_start3A_380 : memref<1x1024xf32, #tpu.memory_space<vmem>>) target_semaphore(%arg6 : memref<!tpu.dma_semaphore, #tpu.memory_space<semaphore_mem>>)
    %get3A_383 = arith.constant 55 : index
    %get3A_384 = memref.load %arg0[%get3A_383] : memref<64xi32, #tpu.memory_space<smem>>
    %dma_start3A_385 = arith.constant 55 : i32
    %dma_start3A_386 = arith.constant 0 : i32
    %dma_start3A_387 = tpu.memref_slice %arg5[%dma_start3A_385, %dma_start3A_386] : memref<64x1024xf32, #tpu.memory_space<vmem>> -> memref<1x1024xf32, #tpu.memory_space<vmem>>
    %dma_start3A_388 = arith.constant 0 : i32
    %dma_start3A_389 = tpu.memref_slice %arg1[%get3A_384, %dma_start3A_388] : memref<131072x1024xf32, #tpu.memory_space<hbm>> -> memref<1x1024xf32, #tpu.memory_space<hbm>>
    tpu.enqueue_dma source(%dma_start3A_389 : memref<1x1024xf32, #tpu.memory_space<hbm>>) target(%dma_start3A_387 : memref<1x1024xf32, #tpu.memory_space<vmem>>) target_semaphore(%arg6 : memref<!tpu.dma_semaphore, #tpu.memory_space<semaphore_mem>>)
    %get3A_390 = arith.constant 56 : index
    %get3A_391 = memref.load %arg0[%get3A_390] : memref<64xi32, #tpu.memory_space<smem>>
    %dma_start3A_392 = arith.constant 56 : i32
    %dma_start3A_393 = arith.constant 0 : i32
    %dma_start3A_394 = tpu.memref_slice %arg5[%dma_start3A_392, %dma_start3A_393] : memref<64x1024xf32, #tpu.memory_space<vmem>> -> memref<1x1024xf32, #tpu.memory_space<vmem>>
    %dma_start3A_395 = arith.constant 0 : i32
    %dma_start3A_396 = tpu.memref_slice %arg1[%get3A_391, %dma_start3A_395] : memref<131072x1024xf32, #tpu.memory_space<hbm>> -> memref<1x1024xf32, #tpu.memory_space<hbm>>
    tpu.enqueue_dma source(%dma_start3A_396 : memref<1x1024xf32, #tpu.memory_space<hbm>>) target(%dma_start3A_394 : memref<1x1024xf32, #tpu.memory_space<vmem>>) target_semaphore(%arg6 : memref<!tpu.dma_semaphore, #tpu.memory_space<semaphore_mem>>)
    %get3A_397 = arith.constant 57 : index
    %get3A_398 = memref.load %arg0[%get3A_397] : memref<64xi32, #tpu.memory_space<smem>>
    %dma_start3A_399 = arith.constant 57 : i32
    %dma_start3A_400 = arith.constant 0 : i32
    %dma_start3A_401 = tpu.memref_slice %arg5[%dma_start3A_399, %dma_start3A_400] : memref<64x1024xf32, #tpu.memory_space<vmem>> -> memref<1x1024xf32, #tpu.memory_space<vmem>>
    %dma_start3A_402 = arith.constant 0 : i32
    %dma_start3A_403 = tpu.memref_slice %arg1[%get3A_398, %dma_start3A_402] : memref<131072x1024xf32, #tpu.memory_space<hbm>> -> memref<1x1024xf32, #tpu.memory_space<hbm>>
    tpu.enqueue_dma source(%dma_start3A_403 : memref<1x1024xf32, #tpu.memory_space<hbm>>) target(%dma_start3A_401 : memref<1x1024xf32, #tpu.memory_space<vmem>>) target_semaphore(%arg6 : memref<!tpu.dma_semaphore, #tpu.memory_space<semaphore_mem>>)
    %get3A_404 = arith.constant 58 : index
    %get3A_405 = memref.load %arg0[%get3A_404] : memref<64xi32, #tpu.memory_space<smem>>
    %dma_start3A_406 = arith.constant 58 : i32
    %dma_start3A_407 = arith.constant 0 : i32
    %dma_start3A_408 = tpu.memref_slice %arg5[%dma_start3A_406, %dma_start3A_407] : memref<64x1024xf32, #tpu.memory_space<vmem>> -> memref<1x1024xf32, #tpu.memory_space<vmem>>
    %dma_start3A_409 = arith.constant 0 : i32
    %dma_start3A_410 = tpu.memref_slice %arg1[%get3A_405, %dma_start3A_409] : memref<131072x1024xf32, #tpu.memory_space<hbm>> -> memref<1x1024xf32, #tpu.memory_space<hbm>>
    tpu.enqueue_dma source(%dma_start3A_410 : memref<1x1024xf32, #tpu.memory_space<hbm>>) target(%dma_start3A_408 : memref<1x1024xf32, #tpu.memory_space<vmem>>) target_semaphore(%arg6 : memref<!tpu.dma_semaphore, #tpu.memory_space<semaphore_mem>>)
    %get3A_411 = arith.constant 59 : index
    %get3A_412 = memref.load %arg0[%get3A_411] : memref<64xi32, #tpu.memory_space<smem>>
    %dma_start3A_413 = arith.constant 59 : i32
    %dma_start3A_414 = arith.constant 0 : i32
    %dma_start3A_415 = tpu.memref_slice %arg5[%dma_start3A_413, %dma_start3A_414] : memref<64x1024xf32, #tpu.memory_space<vmem>> -> memref<1x1024xf32, #tpu.memory_space<vmem>>
    %dma_start3A_416 = arith.constant 0 : i32
    %dma_start3A_417 = tpu.memref_slice %arg1[%get3A_412, %dma_start3A_416] : memref<131072x1024xf32, #tpu.memory_space<hbm>> -> memref<1x1024xf32, #tpu.memory_space<hbm>>
    tpu.enqueue_dma source(%dma_start3A_417 : memref<1x1024xf32, #tpu.memory_space<hbm>>) target(%dma_start3A_415 : memref<1x1024xf32, #tpu.memory_space<vmem>>) target_semaphore(%arg6 : memref<!tpu.dma_semaphore, #tpu.memory_space<semaphore_mem>>)
    %get3A_418 = arith.constant 60 : index
    %get3A_419 = memref.load %arg0[%get3A_418] : memref<64xi32, #tpu.memory_space<smem>>
    %dma_start3A_420 = arith.constant 60 : i32
    %dma_start3A_421 = arith.constant 0 : i32
    %dma_start3A_422 = tpu.memref_slice %arg5[%dma_start3A_420, %dma_start3A_421] : memref<64x1024xf32, #tpu.memory_space<vmem>> -> memref<1x1024xf32, #tpu.memory_space<vmem>>
    %dma_start3A_423 = arith.constant 0 : i32
    %dma_start3A_424 = tpu.memref_slice %arg1[%get3A_419, %dma_start3A_423] : memref<131072x1024xf32, #tpu.memory_space<hbm>> -> memref<1x1024xf32, #tpu.memory_space<hbm>>
    tpu.enqueue_dma source(%dma_start3A_424 : memref<1x1024xf32, #tpu.memory_space<hbm>>) target(%dma_start3A_422 : memref<1x1024xf32, #tpu.memory_space<vmem>>) target_semaphore(%arg6 : memref<!tpu.dma_semaphore, #tpu.memory_space<semaphore_mem>>)
    %get3A_425 = arith.constant 61 : index
    %get3A_426 = memref.load %arg0[%get3A_425] : memref<64xi32, #tpu.memory_space<smem>>
    %dma_start3A_427 = arith.constant 61 : i32
    %dma_start3A_428 = arith.constant 0 : i32
    %dma_start3A_429 = tpu.memref_slice %arg5[%dma_start3A_427, %dma_start3A_428] : memref<64x1024xf32, #tpu.memory_space<vmem>> -> memref<1x1024xf32, #tpu.memory_space<vmem>>
    %dma_start3A_430 = arith.constant 0 : i32
    %dma_start3A_431 = tpu.memref_slice %arg1[%get3A_426, %dma_start3A_430] : memref<131072x1024xf32, #tpu.memory_space<hbm>> -> memref<1x1024xf32, #tpu.memory_space<hbm>>
    tpu.enqueue_dma source(%dma_start3A_431 : memref<1x1024xf32, #tpu.memory_space<hbm>>) target(%dma_start3A_429 : memref<1x1024xf32, #tpu.memory_space<vmem>>) target_semaphore(%arg6 : memref<!tpu.dma_semaphore, #tpu.memory_space<semaphore_mem>>)
    %get3A_432 = arith.constant 62 : index
    %get3A_433 = memref.load %arg0[%get3A_432] : memref<64xi32, #tpu.memory_space<smem>>
    %dma_start3A_434 = arith.constant 62 : i32
    %dma_start3A_435 = arith.constant 0 : i32
    %dma_start3A_436 = tpu.memref_slice %arg5[%dma_start3A_434, %dma_start3A_435] : memref<64x1024xf32, #tpu.memory_space<vmem>> -> memref<1x1024xf32, #tpu.memory_space<vmem>>
    %dma_start3A_437 = arith.constant 0 : i32
    %dma_start3A_438 = tpu.memref_slice %arg1[%get3A_433, %dma_start3A_437] : memref<131072x1024xf32, #tpu.memory_space<hbm>> -> memref<1x1024xf32, #tpu.memory_space<hbm>>
    tpu.enqueue_dma source(%dma_start3A_438 : memref<1x1024xf32, #tpu.memory_space<hbm>>) target(%dma_start3A_436 : memref<1x1024xf32, #tpu.memory_space<vmem>>) target_semaphore(%arg6 : memref<!tpu.dma_semaphore, #tpu.memory_space<semaphore_mem>>)
    %get3A_439 = arith.constant 63 : index
    %get3A_440 = memref.load %arg0[%get3A_439] : memref<64xi32, #tpu.memory_space<smem>>
    %dma_start3A_441 = arith.constant 63 : i32
    %dma_start3A_442 = arith.constant 0 : i32
    %dma_start3A_443 = tpu.memref_slice %arg5[%dma_start3A_441, %dma_start3A_442] : memref<64x1024xf32, #tpu.memory_space<vmem>> -> memref<1x1024xf32, #tpu.memory_space<vmem>>
    %dma_start3A_444 = arith.constant 0 : i32
    %dma_start3A_445 = tpu.memref_slice %arg1[%get3A_440, %dma_start3A_444] : memref<131072x1024xf32, #tpu.memory_space<hbm>> -> memref<1x1024xf32, #tpu.memory_space<hbm>>
    tpu.enqueue_dma source(%dma_start3A_445 : memref<1x1024xf32, #tpu.memory_space<hbm>>) target(%dma_start3A_443 : memref<1x1024xf32, #tpu.memory_space<vmem>>) target_semaphore(%arg6 : memref<!tpu.dma_semaphore, #tpu.memory_space<semaphore_mem>>)
    %dma_wait3A = arith.constant 0 : i32
    %dma_wait3A_446 = arith.constant 0 : i32
    %dma_wait3A_447 = tpu.memref_slice %arg5[%dma_wait3A, %dma_wait3A_446] : memref<64x1024xf32, #tpu.memory_space<vmem>> -> memref<1x1024xf32, #tpu.memory_space<vmem>>
    %dma_wait3A_448 = arith.constant 0 : i32
    %dma_wait3A_449 = tpu.memref_slice %arg1[%get3A_0, %dma_wait3A_448] : memref<131072x1024xf32, #tpu.memory_space<hbm>> -> memref<1x1024xf32, #tpu.memory_space<hbm>>
    tpu.wait_dma2 semaphore(%arg6 : memref<!tpu.dma_semaphore, #tpu.memory_space<semaphore_mem>>) src(%dma_wait3A_449 : memref<1x1024xf32, #tpu.memory_space<hbm>>) dst(%dma_wait3A_447 : memref<1x1024xf32, #tpu.memory_space<vmem>>)
    %dma_wait3A_450 = arith.constant 1 : i32
    %dma_wait3A_451 = arith.constant 0 : i32
    %dma_wait3A_452 = tpu.memref_slice %arg5[%dma_wait3A_450, %dma_wait3A_451] : memref<64x1024xf32, #tpu.memory_space<vmem>> -> memref<1x1024xf32, #tpu.memory_space<vmem>>
    %dma_wait3A_453 = arith.constant 0 : i32
    %dma_wait3A_454 = tpu.memref_slice %arg1[%get3A_6, %dma_wait3A_453] : memref<131072x1024xf32, #tpu.memory_space<hbm>> -> memref<1x1024xf32, #tpu.memory_space<hbm>>
    tpu.wait_dma2 semaphore(%arg6 : memref<!tpu.dma_semaphore, #tpu.memory_space<semaphore_mem>>) src(%dma_wait3A_454 : memref<1x1024xf32, #tpu.memory_space<hbm>>) dst(%dma_wait3A_452 : memref<1x1024xf32, #tpu.memory_space<vmem>>)
    %dma_wait3A_455 = arith.constant 2 : i32
    %dma_wait3A_456 = arith.constant 0 : i32
    %dma_wait3A_457 = tpu.memref_slice %arg5[%dma_wait3A_455, %dma_wait3A_456] : memref<64x1024xf32, #tpu.memory_space<vmem>> -> memref<1x1024xf32, #tpu.memory_space<vmem>>
    %dma_wait3A_458 = arith.constant 0 : i32
    %dma_wait3A_459 = tpu.memref_slice %arg1[%get3A_13, %dma_wait3A_458] : memref<131072x1024xf32, #tpu.memory_space<hbm>> -> memref<1x1024xf32, #tpu.memory_space<hbm>>
    tpu.wait_dma2 semaphore(%arg6 : memref<!tpu.dma_semaphore, #tpu.memory_space<semaphore_mem>>) src(%dma_wait3A_459 : memref<1x1024xf32, #tpu.memory_space<hbm>>) dst(%dma_wait3A_457 : memref<1x1024xf32, #tpu.memory_space<vmem>>)
    %dma_wait3A_460 = arith.constant 3 : i32
    %dma_wait3A_461 = arith.constant 0 : i32
    %dma_wait3A_462 = tpu.memref_slice %arg5[%dma_wait3A_460, %dma_wait3A_461] : memref<64x1024xf32, #tpu.memory_space<vmem>> -> memref<1x1024xf32, #tpu.memory_space<vmem>>
    %dma_wait3A_463 = arith.constant 0 : i32
    %dma_wait3A_464 = tpu.memref_slice %arg1[%get3A_20, %dma_wait3A_463] : memref<131072x1024xf32, #tpu.memory_space<hbm>> -> memref<1x1024xf32, #tpu.memory_space<hbm>>
    tpu.wait_dma2 semaphore(%arg6 : memref<!tpu.dma_semaphore, #tpu.memory_space<semaphore_mem>>) src(%dma_wait3A_464 : memref<1x1024xf32, #tpu.memory_space<hbm>>) dst(%dma_wait3A_462 : memref<1x1024xf32, #tpu.memory_space<vmem>>)
    %dma_wait3A_465 = arith.constant 4 : i32
    %dma_wait3A_466 = arith.constant 0 : i32
    %dma_wait3A_467 = tpu.memref_slice %arg5[%dma_wait3A_465, %dma_wait3A_466] : memref<64x1024xf32, #tpu.memory_space<vmem>> -> memref<1x1024xf32, #tpu.memory_space<vmem>>
    %dma_wait3A_468 = arith.constant 0 : i32
    %dma_wait3A_469 = tpu.memref_slice %arg1[%get3A_27, %dma_wait3A_468] : memref<131072x1024xf32, #tpu.memory_space<hbm>> -> memref<1x1024xf32, #tpu.memory_space<hbm>>
    tpu.wait_dma2 semaphore(%arg6 : memref<!tpu.dma_semaphore, #tpu.memory_space<semaphore_mem>>) src(%dma_wait3A_469 : memref<1x1024xf32, #tpu.memory_space<hbm>>) dst(%dma_wait3A_467 : memref<1x1024xf32, #tpu.memory_space<vmem>>)
    %dma_wait3A_470 = arith.constant 5 : i32
    %dma_wait3A_471 = arith.constant 0 : i32
    %dma_wait3A_472 = tpu.memref_slice %arg5[%dma_wait3A_470, %dma_wait3A_471] : memref<64x1024xf32, #tpu.memory_space<vmem>> -> memref<1x1024xf32, #tpu.memory_space<vmem>>
    %dma_wait3A_473 = arith.constant 0 : i32
    %dma_wait3A_474 = tpu.memref_slice %arg1[%get3A_34, %dma_wait3A_473] : memref<131072x1024xf32, #tpu.memory_space<hbm>> -> memref<1x1024xf32, #tpu.memory_space<hbm>>
    tpu.wait_dma2 semaphore(%arg6 : memref<!tpu.dma_semaphore, #tpu.memory_space<semaphore_mem>>) src(%dma_wait3A_474 : memref<1x1024xf32, #tpu.memory_space<hbm>>) dst(%dma_wait3A_472 : memref<1x1024xf32, #tpu.memory_space<vmem>>)
    %dma_wait3A_475 = arith.constant 6 : i32
    %dma_wait3A_476 = arith.constant 0 : i32
    %dma_wait3A_477 = tpu.memref_slice %arg5[%dma_wait3A_475, %dma_wait3A_476] : memref<64x1024xf32, #tpu.memory_space<vmem>> -> memref<1x1024xf32, #tpu.memory_space<vmem>>
    %dma_wait3A_478 = arith.constant 0 : i32
    %dma_wait3A_479 = tpu.memref_slice %arg1[%get3A_41, %dma_wait3A_478] : memref<131072x1024xf32, #tpu.memory_space<hbm>> -> memref<1x1024xf32, #tpu.memory_space<hbm>>
    tpu.wait_dma2 semaphore(%arg6 : memref<!tpu.dma_semaphore, #tpu.memory_space<semaphore_mem>>) src(%dma_wait3A_479 : memref<1x1024xf32, #tpu.memory_space<hbm>>) dst(%dma_wait3A_477 : memref<1x1024xf32, #tpu.memory_space<vmem>>)
    %dma_wait3A_480 = arith.constant 7 : i32
    %dma_wait3A_481 = arith.constant 0 : i32
    %dma_wait3A_482 = tpu.memref_slice %arg5[%dma_wait3A_480, %dma_wait3A_481] : memref<64x1024xf32, #tpu.memory_space<vmem>> -> memref<1x1024xf32, #tpu.memory_space<vmem>>
    %dma_wait3A_483 = arith.constant 0 : i32
    %dma_wait3A_484 = tpu.memref_slice %arg1[%get3A_48, %dma_wait3A_483] : memref<131072x1024xf32, #tpu.memory_space<hbm>> -> memref<1x1024xf32, #tpu.memory_space<hbm>>
    tpu.wait_dma2 semaphore(%arg6 : memref<!tpu.dma_semaphore, #tpu.memory_space<semaphore_mem>>) src(%dma_wait3A_484 : memref<1x1024xf32, #tpu.memory_space<hbm>>) dst(%dma_wait3A_482 : memref<1x1024xf32, #tpu.memory_space<vmem>>)
    %dma_wait3A_485 = arith.constant 8 : i32
    %dma_wait3A_486 = arith.constant 0 : i32
    %dma_wait3A_487 = tpu.memref_slice %arg5[%dma_wait3A_485, %dma_wait3A_486] : memref<64x1024xf32, #tpu.memory_space<vmem>> -> memref<1x1024xf32, #tpu.memory_space<vmem>>
    %dma_wait3A_488 = arith.constant 0 : i32
    %dma_wait3A_489 = tpu.memref_slice %arg1[%get3A_55, %dma_wait3A_488] : memref<131072x1024xf32, #tpu.memory_space<hbm>> -> memref<1x1024xf32, #tpu.memory_space<hbm>>
    tpu.wait_dma2 semaphore(%arg6 : memref<!tpu.dma_semaphore, #tpu.memory_space<semaphore_mem>>) src(%dma_wait3A_489 : memref<1x1024xf32, #tpu.memory_space<hbm>>) dst(%dma_wait3A_487 : memref<1x1024xf32, #tpu.memory_space<vmem>>)
    %dma_wait3A_490 = arith.constant 9 : i32
    %dma_wait3A_491 = arith.constant 0 : i32
    %dma_wait3A_492 = tpu.memref_slice %arg5[%dma_wait3A_490, %dma_wait3A_491] : memref<64x1024xf32, #tpu.memory_space<vmem>> -> memref<1x1024xf32, #tpu.memory_space<vmem>>
    %dma_wait3A_493 = arith.constant 0 : i32
    %dma_wait3A_494 = tpu.memref_slice %arg1[%get3A_62, %dma_wait3A_493] : memref<131072x1024xf32, #tpu.memory_space<hbm>> -> memref<1x1024xf32, #tpu.memory_space<hbm>>
    tpu.wait_dma2 semaphore(%arg6 : memref<!tpu.dma_semaphore, #tpu.memory_space<semaphore_mem>>) src(%dma_wait3A_494 : memref<1x1024xf32, #tpu.memory_space<hbm>>) dst(%dma_wait3A_492 : memref<1x1024xf32, #tpu.memory_space<vmem>>)
    %dma_wait3A_495 = arith.constant 10 : i32
    %dma_wait3A_496 = arith.constant 0 : i32
    %dma_wait3A_497 = tpu.memref_slice %arg5[%dma_wait3A_495, %dma_wait3A_496] : memref<64x1024xf32, #tpu.memory_space<vmem>> -> memref<1x1024xf32, #tpu.memory_space<vmem>>
    %dma_wait3A_498 = arith.constant 0 : i32
    %dma_wait3A_499 = tpu.memref_slice %arg1[%get3A_69, %dma_wait3A_498] : memref<131072x1024xf32, #tpu.memory_space<hbm>> -> memref<1x1024xf32, #tpu.memory_space<hbm>>
    tpu.wait_dma2 semaphore(%arg6 : memref<!tpu.dma_semaphore, #tpu.memory_space<semaphore_mem>>) src(%dma_wait3A_499 : memref<1x1024xf32, #tpu.memory_space<hbm>>) dst(%dma_wait3A_497 : memref<1x1024xf32, #tpu.memory_space<vmem>>)
    %dma_wait3A_500 = arith.constant 11 : i32
    %dma_wait3A_501 = arith.constant 0 : i32
    %dma_wait3A_502 = tpu.memref_slice %arg5[%dma_wait3A_500, %dma_wait3A_501] : memref<64x1024xf32, #tpu.memory_space<vmem>> -> memref<1x1024xf32, #tpu.memory_space<vmem>>
    %dma_wait3A_503 = arith.constant 0 : i32
    %dma_wait3A_504 = tpu.memref_slice %arg1[%get3A_76, %dma_wait3A_503] : memref<131072x1024xf32, #tpu.memory_space<hbm>> -> memref<1x1024xf32, #tpu.memory_space<hbm>>
    tpu.wait_dma2 semaphore(%arg6 : memref<!tpu.dma_semaphore, #tpu.memory_space<semaphore_mem>>) src(%dma_wait3A_504 : memref<1x1024xf32, #tpu.memory_space<hbm>>) dst(%dma_wait3A_502 : memref<1x1024xf32, #tpu.memory_space<vmem>>)
    %dma_wait3A_505 = arith.constant 12 : i32
    %dma_wait3A_506 = arith.constant 0 : i32
    %dma_wait3A_507 = tpu.memref_slice %arg5[%dma_wait3A_505, %dma_wait3A_506] : memref<64x1024xf32, #tpu.memory_space<vmem>> -> memref<1x1024xf32, #tpu.memory_space<vmem>>
    %dma_wait3A_508 = arith.constant 0 : i32
    %dma_wait3A_509 = tpu.memref_slice %arg1[%get3A_83, %dma_wait3A_508] : memref<131072x1024xf32, #tpu.memory_space<hbm>> -> memref<1x1024xf32, #tpu.memory_space<hbm>>
    tpu.wait_dma2 semaphore(%arg6 : memref<!tpu.dma_semaphore, #tpu.memory_space<semaphore_mem>>) src(%dma_wait3A_509 : memref<1x1024xf32, #tpu.memory_space<hbm>>) dst(%dma_wait3A_507 : memref<1x1024xf32, #tpu.memory_space<vmem>>)
    %dma_wait3A_510 = arith.constant 13 : i32
    %dma_wait3A_511 = arith.constant 0 : i32
    %dma_wait3A_512 = tpu.memref_slice %arg5[%dma_wait3A_510, %dma_wait3A_511] : memref<64x1024xf32, #tpu.memory_space<vmem>> -> memref<1x1024xf32, #tpu.memory_space<vmem>>
    %dma_wait3A_513 = arith.constant 0 : i32
    %dma_wait3A_514 = tpu.memref_slice %arg1[%get3A_90, %dma_wait3A_513] : memref<131072x1024xf32, #tpu.memory_space<hbm>> -> memref<1x1024xf32, #tpu.memory_space<hbm>>
    tpu.wait_dma2 semaphore(%arg6 : memref<!tpu.dma_semaphore, #tpu.memory_space<semaphore_mem>>) src(%dma_wait3A_514 : memref<1x1024xf32, #tpu.memory_space<hbm>>) dst(%dma_wait3A_512 : memref<1x1024xf32, #tpu.memory_space<vmem>>)
    %dma_wait3A_515 = arith.constant 14 : i32
    %dma_wait3A_516 = arith.constant 0 : i32
    %dma_wait3A_517 = tpu.memref_slice %arg5[%dma_wait3A_515, %dma_wait3A_516] : memref<64x1024xf32, #tpu.memory_space<vmem>> -> memref<1x1024xf32, #tpu.memory_space<vmem>>
    %dma_wait3A_518 = arith.constant 0 : i32
    %dma_wait3A_519 = tpu.memref_slice %arg1[%get3A_97, %dma_wait3A_518] : memref<131072x1024xf32, #tpu.memory_space<hbm>> -> memref<1x1024xf32, #tpu.memory_space<hbm>>
    tpu.wait_dma2 semaphore(%arg6 : memref<!tpu.dma_semaphore, #tpu.memory_space<semaphore_mem>>) src(%dma_wait3A_519 : memref<1x1024xf32, #tpu.memory_space<hbm>>) dst(%dma_wait3A_517 : memref<1x1024xf32, #tpu.memory_space<vmem>>)
    %dma_wait3A_520 = arith.constant 15 : i32
    %dma_wait3A_521 = arith.constant 0 : i32
    %dma_wait3A_522 = tpu.memref_slice %arg5[%dma_wait3A_520, %dma_wait3A_521] : memref<64x1024xf32, #tpu.memory_space<vmem>> -> memref<1x1024xf32, #tpu.memory_space<vmem>>
    %dma_wait3A_523 = arith.constant 0 : i32
    %dma_wait3A_524 = tpu.memref_slice %arg1[%get3A_104, %dma_wait3A_523] : memref<131072x1024xf32, #tpu.memory_space<hbm>> -> memref<1x1024xf32, #tpu.memory_space<hbm>>
    tpu.wait_dma2 semaphore(%arg6 : memref<!tpu.dma_semaphore, #tpu.memory_space<semaphore_mem>>) src(%dma_wait3A_524 : memref<1x1024xf32, #tpu.memory_space<hbm>>) dst(%dma_wait3A_522 : memref<1x1024xf32, #tpu.memory_space<vmem>>)
    %dma_wait3A_525 = arith.constant 16 : i32
    %dma_wait3A_526 = arith.constant 0 : i32
    %dma_wait3A_527 = tpu.memref_slice %arg5[%dma_wait3A_525, %dma_wait3A_526] : memref<64x1024xf32, #tpu.memory_space<vmem>> -> memref<1x1024xf32, #tpu.memory_space<vmem>>
    %dma_wait3A_528 = arith.constant 0 : i32
    %dma_wait3A_529 = tpu.memref_slice %arg1[%get3A_111, %dma_wait3A_528] : memref<131072x1024xf32, #tpu.memory_space<hbm>> -> memref<1x1024xf32, #tpu.memory_space<hbm>>
    tpu.wait_dma2 semaphore(%arg6 : memref<!tpu.dma_semaphore, #tpu.memory_space<semaphore_mem>>) src(%dma_wait3A_529 : memref<1x1024xf32, #tpu.memory_space<hbm>>) dst(%dma_wait3A_527 : memref<1x1024xf32, #tpu.memory_space<vmem>>)
    %dma_wait3A_530 = arith.constant 17 : i32
    %dma_wait3A_531 = arith.constant 0 : i32
    %dma_wait3A_532 = tpu.memref_slice %arg5[%dma_wait3A_530, %dma_wait3A_531] : memref<64x1024xf32, #tpu.memory_space<vmem>> -> memref<1x1024xf32, #tpu.memory_space<vmem>>
    %dma_wait3A_533 = arith.constant 0 : i32
    %dma_wait3A_534 = tpu.memref_slice %arg1[%get3A_118, %dma_wait3A_533] : memref<131072x1024xf32, #tpu.memory_space<hbm>> -> memref<1x1024xf32, #tpu.memory_space<hbm>>
    tpu.wait_dma2 semaphore(%arg6 : memref<!tpu.dma_semaphore, #tpu.memory_space<semaphore_mem>>) src(%dma_wait3A_534 : memref<1x1024xf32, #tpu.memory_space<hbm>>) dst(%dma_wait3A_532 : memref<1x1024xf32, #tpu.memory_space<vmem>>)
    %dma_wait3A_535 = arith.constant 18 : i32
    %dma_wait3A_536 = arith.constant 0 : i32
    %dma_wait3A_537 = tpu.memref_slice %arg5[%dma_wait3A_535, %dma_wait3A_536] : memref<64x1024xf32, #tpu.memory_space<vmem>> -> memref<1x1024xf32, #tpu.memory_space<vmem>>
    %dma_wait3A_538 = arith.constant 0 : i32
    %dma_wait3A_539 = tpu.memref_slice %arg1[%get3A_125, %dma_wait3A_538] : memref<131072x1024xf32, #tpu.memory_space<hbm>> -> memref<1x1024xf32, #tpu.memory_space<hbm>>
    tpu.wait_dma2 semaphore(%arg6 : memref<!tpu.dma_semaphore, #tpu.memory_space<semaphore_mem>>) src(%dma_wait3A_539 : memref<1x1024xf32, #tpu.memory_space<hbm>>) dst(%dma_wait3A_537 : memref<1x1024xf32, #tpu.memory_space<vmem>>)
    %dma_wait3A_540 = arith.constant 19 : i32
    %dma_wait3A_541 = arith.constant 0 : i32
    %dma_wait3A_542 = tpu.memref_slice %arg5[%dma_wait3A_540, %dma_wait3A_541] : memref<64x1024xf32, #tpu.memory_space<vmem>> -> memref<1x1024xf32, #tpu.memory_space<vmem>>
    %dma_wait3A_543 = arith.constant 0 : i32
    %dma_wait3A_544 = tpu.memref_slice %arg1[%get3A_132, %dma_wait3A_543] : memref<131072x1024xf32, #tpu.memory_space<hbm>> -> memref<1x1024xf32, #tpu.memory_space<hbm>>
    tpu.wait_dma2 semaphore(%arg6 : memref<!tpu.dma_semaphore, #tpu.memory_space<semaphore_mem>>) src(%dma_wait3A_544 : memref<1x1024xf32, #tpu.memory_space<hbm>>) dst(%dma_wait3A_542 : memref<1x1024xf32, #tpu.memory_space<vmem>>)
    %dma_wait3A_545 = arith.constant 20 : i32
    %dma_wait3A_546 = arith.constant 0 : i32
    %dma_wait3A_547 = tpu.memref_slice %arg5[%dma_wait3A_545, %dma_wait3A_546] : memref<64x1024xf32, #tpu.memory_space<vmem>> -> memref<1x1024xf32, #tpu.memory_space<vmem>>
    %dma_wait3A_548 = arith.constant 0 : i32
    %dma_wait3A_549 = tpu.memref_slice %arg1[%get3A_139, %dma_wait3A_548] : memref<131072x1024xf32, #tpu.memory_space<hbm>> -> memref<1x1024xf32, #tpu.memory_space<hbm>>
    tpu.wait_dma2 semaphore(%arg6 : memref<!tpu.dma_semaphore, #tpu.memory_space<semaphore_mem>>) src(%dma_wait3A_549 : memref<1x1024xf32, #tpu.memory_space<hbm>>) dst(%dma_wait3A_547 : memref<1x1024xf32, #tpu.memory_space<vmem>>)
    %dma_wait3A_550 = arith.constant 21 : i32
    %dma_wait3A_551 = arith.constant 0 : i32
    %dma_wait3A_552 = tpu.memref_slice %arg5[%dma_wait3A_550, %dma_wait3A_551] : memref<64x1024xf32, #tpu.memory_space<vmem>> -> memref<1x1024xf32, #tpu.memory_space<vmem>>
    %dma_wait3A_553 = arith.constant 0 : i32
    %dma_wait3A_554 = tpu.memref_slice %arg1[%get3A_146, %dma_wait3A_553] : memref<131072x1024xf32, #tpu.memory_space<hbm>> -> memref<1x1024xf32, #tpu.memory_space<hbm>>
    tpu.wait_dma2 semaphore(%arg6 : memref<!tpu.dma_semaphore, #tpu.memory_space<semaphore_mem>>) src(%dma_wait3A_554 : memref<1x1024xf32, #tpu.memory_space<hbm>>) dst(%dma_wait3A_552 : memref<1x1024xf32, #tpu.memory_space<vmem>>)
    %dma_wait3A_555 = arith.constant 22 : i32
    %dma_wait3A_556 = arith.constant 0 : i32
    %dma_wait3A_557 = tpu.memref_slice %arg5[%dma_wait3A_555, %dma_wait3A_556] : memref<64x1024xf32, #tpu.memory_space<vmem>> -> memref<1x1024xf32, #tpu.memory_space<vmem>>
    %dma_wait3A_558 = arith.constant 0 : i32
    %dma_wait3A_559 = tpu.memref_slice %arg1[%get3A_153, %dma_wait3A_558] : memref<131072x1024xf32, #tpu.memory_space<hbm>> -> memref<1x1024xf32, #tpu.memory_space<hbm>>
    tpu.wait_dma2 semaphore(%arg6 : memref<!tpu.dma_semaphore, #tpu.memory_space<semaphore_mem>>) src(%dma_wait3A_559 : memref<1x1024xf32, #tpu.memory_space<hbm>>) dst(%dma_wait3A_557 : memref<1x1024xf32, #tpu.memory_space<vmem>>)
    %dma_wait3A_560 = arith.constant 23 : i32
    %dma_wait3A_561 = arith.constant 0 : i32
    %dma_wait3A_562 = tpu.memref_slice %arg5[%dma_wait3A_560, %dma_wait3A_561] : memref<64x1024xf32, #tpu.memory_space<vmem>> -> memref<1x1024xf32, #tpu.memory_space<vmem>>
    %dma_wait3A_563 = arith.constant 0 : i32
    %dma_wait3A_564 = tpu.memref_slice %arg1[%get3A_160, %dma_wait3A_563] : memref<131072x1024xf32, #tpu.memory_space<hbm>> -> memref<1x1024xf32, #tpu.memory_space<hbm>>
    tpu.wait_dma2 semaphore(%arg6 : memref<!tpu.dma_semaphore, #tpu.memory_space<semaphore_mem>>) src(%dma_wait3A_564 : memref<1x1024xf32, #tpu.memory_space<hbm>>) dst(%dma_wait3A_562 : memref<1x1024xf32, #tpu.memory_space<vmem>>)
    %dma_wait3A_565 = arith.constant 24 : i32
    %dma_wait3A_566 = arith.constant 0 : i32
    %dma_wait3A_567 = tpu.memref_slice %arg5[%dma_wait3A_565, %dma_wait3A_566] : memref<64x1024xf32, #tpu.memory_space<vmem>> -> memref<1x1024xf32, #tpu.memory_space<vmem>>
    %dma_wait3A_568 = arith.constant 0 : i32
    %dma_wait3A_569 = tpu.memref_slice %arg1[%get3A_167, %dma_wait3A_568] : memref<131072x1024xf32, #tpu.memory_space<hbm>> -> memref<1x1024xf32, #tpu.memory_space<hbm>>
    tpu.wait_dma2 semaphore(%arg6 : memref<!tpu.dma_semaphore, #tpu.memory_space<semaphore_mem>>) src(%dma_wait3A_569 : memref<1x1024xf32, #tpu.memory_space<hbm>>) dst(%dma_wait3A_567 : memref<1x1024xf32, #tpu.memory_space<vmem>>)
    %dma_wait3A_570 = arith.constant 25 : i32
    %dma_wait3A_571 = arith.constant 0 : i32
    %dma_wait3A_572 = tpu.memref_slice %arg5[%dma_wait3A_570, %dma_wait3A_571] : memref<64x1024xf32, #tpu.memory_space<vmem>> -> memref<1x1024xf32, #tpu.memory_space<vmem>>
    %dma_wait3A_573 = arith.constant 0 : i32
    %dma_wait3A_574 = tpu.memref_slice %arg1[%get3A_174, %dma_wait3A_573] : memref<131072x1024xf32, #tpu.memory_space<hbm>> -> memref<1x1024xf32, #tpu.memory_space<hbm>>
    tpu.wait_dma2 semaphore(%arg6 : memref<!tpu.dma_semaphore, #tpu.memory_space<semaphore_mem>>) src(%dma_wait3A_574 : memref<1x1024xf32, #tpu.memory_space<hbm>>) dst(%dma_wait3A_572 : memref<1x1024xf32, #tpu.memory_space<vmem>>)
    %dma_wait3A_575 = arith.constant 26 : i32
    %dma_wait3A_576 = arith.constant 0 : i32
    %dma_wait3A_577 = tpu.memref_slice %arg5[%dma_wait3A_575, %dma_wait3A_576] : memref<64x1024xf32, #tpu.memory_space<vmem>> -> memref<1x1024xf32, #tpu.memory_space<vmem>>
    %dma_wait3A_578 = arith.constant 0 : i32
    %dma_wait3A_579 = tpu.memref_slice %arg1[%get3A_181, %dma_wait3A_578] : memref<131072x1024xf32, #tpu.memory_space<hbm>> -> memref<1x1024xf32, #tpu.memory_space<hbm>>
    tpu.wait_dma2 semaphore(%arg6 : memref<!tpu.dma_semaphore, #tpu.memory_space<semaphore_mem>>) src(%dma_wait3A_579 : memref<1x1024xf32, #tpu.memory_space<hbm>>) dst(%dma_wait3A_577 : memref<1x1024xf32, #tpu.memory_space<vmem>>)
    %dma_wait3A_580 = arith.constant 27 : i32
    %dma_wait3A_581 = arith.constant 0 : i32
    %dma_wait3A_582 = tpu.memref_slice %arg5[%dma_wait3A_580, %dma_wait3A_581] : memref<64x1024xf32, #tpu.memory_space<vmem>> -> memref<1x1024xf32, #tpu.memory_space<vmem>>
    %dma_wait3A_583 = arith.constant 0 : i32
    %dma_wait3A_584 = tpu.memref_slice %arg1[%get3A_188, %dma_wait3A_583] : memref<131072x1024xf32, #tpu.memory_space<hbm>> -> memref<1x1024xf32, #tpu.memory_space<hbm>>
    tpu.wait_dma2 semaphore(%arg6 : memref<!tpu.dma_semaphore, #tpu.memory_space<semaphore_mem>>) src(%dma_wait3A_584 : memref<1x1024xf32, #tpu.memory_space<hbm>>) dst(%dma_wait3A_582 : memref<1x1024xf32, #tpu.memory_space<vmem>>)
    %dma_wait3A_585 = arith.constant 28 : i32
    %dma_wait3A_586 = arith.constant 0 : i32
    %dma_wait3A_587 = tpu.memref_slice %arg5[%dma_wait3A_585, %dma_wait3A_586] : memref<64x1024xf32, #tpu.memory_space<vmem>> -> memref<1x1024xf32, #tpu.memory_space<vmem>>
    %dma_wait3A_588 = arith.constant 0 : i32
    %dma_wait3A_589 = tpu.memref_slice %arg1[%get3A_195, %dma_wait3A_588] : memref<131072x1024xf32, #tpu.memory_space<hbm>> -> memref<1x1024xf32, #tpu.memory_space<hbm>>
    tpu.wait_dma2 semaphore(%arg6 : memref<!tpu.dma_semaphore, #tpu.memory_space<semaphore_mem>>) src(%dma_wait3A_589 : memref<1x1024xf32, #tpu.memory_space<hbm>>) dst(%dma_wait3A_587 : memref<1x1024xf32, #tpu.memory_space<vmem>>)
    %dma_wait3A_590 = arith.constant 29 : i32
    %dma_wait3A_591 = arith.constant 0 : i32
    %dma_wait3A_592 = tpu.memref_slice %arg5[%dma_wait3A_590, %dma_wait3A_591] : memref<64x1024xf32, #tpu.memory_space<vmem>> -> memref<1x1024xf32, #tpu.memory_space<vmem>>
    %dma_wait3A_593 = arith.constant 0 : i32
    %dma_wait3A_594 = tpu.memref_slice %arg1[%get3A_202, %dma_wait3A_593] : memref<131072x1024xf32, #tpu.memory_space<hbm>> -> memref<1x1024xf32, #tpu.memory_space<hbm>>
    tpu.wait_dma2 semaphore(%arg6 : memref<!tpu.dma_semaphore, #tpu.memory_space<semaphore_mem>>) src(%dma_wait3A_594 : memref<1x1024xf32, #tpu.memory_space<hbm>>) dst(%dma_wait3A_592 : memref<1x1024xf32, #tpu.memory_space<vmem>>)
    %dma_wait3A_595 = arith.constant 30 : i32
    %dma_wait3A_596 = arith.constant 0 : i32
    %dma_wait3A_597 = tpu.memref_slice %arg5[%dma_wait3A_595, %dma_wait3A_596] : memref<64x1024xf32, #tpu.memory_space<vmem>> -> memref<1x1024xf32, #tpu.memory_space<vmem>>
    %dma_wait3A_598 = arith.constant 0 : i32
    %dma_wait3A_599 = tpu.memref_slice %arg1[%get3A_209, %dma_wait3A_598] : memref<131072x1024xf32, #tpu.memory_space<hbm>> -> memref<1x1024xf32, #tpu.memory_space<hbm>>
    tpu.wait_dma2 semaphore(%arg6 : memref<!tpu.dma_semaphore, #tpu.memory_space<semaphore_mem>>) src(%dma_wait3A_599 : memref<1x1024xf32, #tpu.memory_space<hbm>>) dst(%dma_wait3A_597 : memref<1x1024xf32, #tpu.memory_space<vmem>>)
    %dma_wait3A_600 = arith.constant 31 : i32
    %dma_wait3A_601 = arith.constant 0 : i32
    %dma_wait3A_602 = tpu.memref_slice %arg5[%dma_wait3A_600, %dma_wait3A_601] : memref<64x1024xf32, #tpu.memory_space<vmem>> -> memref<1x1024xf32, #tpu.memory_space<vmem>>
    %dma_wait3A_603 = arith.constant 0 : i32
    %dma_wait3A_604 = tpu.memref_slice %arg1[%get3A_216, %dma_wait3A_603] : memref<131072x1024xf32, #tpu.memory_space<hbm>> -> memref<1x1024xf32, #tpu.memory_space<hbm>>
    tpu.wait_dma2 semaphore(%arg6 : memref<!tpu.dma_semaphore, #tpu.memory_space<semaphore_mem>>) src(%dma_wait3A_604 : memref<1x1024xf32, #tpu.memory_space<hbm>>) dst(%dma_wait3A_602 : memref<1x1024xf32, #tpu.memory_space<vmem>>)
    %dma_wait3A_605 = arith.constant 32 : i32
    %dma_wait3A_606 = arith.constant 0 : i32
    %dma_wait3A_607 = tpu.memref_slice %arg5[%dma_wait3A_605, %dma_wait3A_606] : memref<64x1024xf32, #tpu.memory_space<vmem>> -> memref<1x1024xf32, #tpu.memory_space<vmem>>
    %dma_wait3A_608 = arith.constant 0 : i32
    %dma_wait3A_609 = tpu.memref_slice %arg1[%get3A_223, %dma_wait3A_608] : memref<131072x1024xf32, #tpu.memory_space<hbm>> -> memref<1x1024xf32, #tpu.memory_space<hbm>>
    tpu.wait_dma2 semaphore(%arg6 : memref<!tpu.dma_semaphore, #tpu.memory_space<semaphore_mem>>) src(%dma_wait3A_609 : memref<1x1024xf32, #tpu.memory_space<hbm>>) dst(%dma_wait3A_607 : memref<1x1024xf32, #tpu.memory_space<vmem>>)
    %dma_wait3A_610 = arith.constant 33 : i32
    %dma_wait3A_611 = arith.constant 0 : i32
    %dma_wait3A_612 = tpu.memref_slice %arg5[%dma_wait3A_610, %dma_wait3A_611] : memref<64x1024xf32, #tpu.memory_space<vmem>> -> memref<1x1024xf32, #tpu.memory_space<vmem>>
    %dma_wait3A_613 = arith.constant 0 : i32
    %dma_wait3A_614 = tpu.memref_slice %arg1[%get3A_230, %dma_wait3A_613] : memref<131072x1024xf32, #tpu.memory_space<hbm>> -> memref<1x1024xf32, #tpu.memory_space<hbm>>
    tpu.wait_dma2 semaphore(%arg6 : memref<!tpu.dma_semaphore, #tpu.memory_space<semaphore_mem>>) src(%dma_wait3A_614 : memref<1x1024xf32, #tpu.memory_space<hbm>>) dst(%dma_wait3A_612 : memref<1x1024xf32, #tpu.memory_space<vmem>>)
    %dma_wait3A_615 = arith.constant 34 : i32
    %dma_wait3A_616 = arith.constant 0 : i32
    %dma_wait3A_617 = tpu.memref_slice %arg5[%dma_wait3A_615, %dma_wait3A_616] : memref<64x1024xf32, #tpu.memory_space<vmem>> -> memref<1x1024xf32, #tpu.memory_space<vmem>>
    %dma_wait3A_618 = arith.constant 0 : i32
    %dma_wait3A_619 = tpu.memref_slice %arg1[%get3A_237, %dma_wait3A_618] : memref<131072x1024xf32, #tpu.memory_space<hbm>> -> memref<1x1024xf32, #tpu.memory_space<hbm>>
    tpu.wait_dma2 semaphore(%arg6 : memref<!tpu.dma_semaphore, #tpu.memory_space<semaphore_mem>>) src(%dma_wait3A_619 : memref<1x1024xf32, #tpu.memory_space<hbm>>) dst(%dma_wait3A_617 : memref<1x1024xf32, #tpu.memory_space<vmem>>)
    %dma_wait3A_620 = arith.constant 35 : i32
    %dma_wait3A_621 = arith.constant 0 : i32
    %dma_wait3A_622 = tpu.memref_slice %arg5[%dma_wait3A_620, %dma_wait3A_621] : memref<64x1024xf32, #tpu.memory_space<vmem>> -> memref<1x1024xf32, #tpu.memory_space<vmem>>
    %dma_wait3A_623 = arith.constant 0 : i32
    %dma_wait3A_624 = tpu.memref_slice %arg1[%get3A_244, %dma_wait3A_623] : memref<131072x1024xf32, #tpu.memory_space<hbm>> -> memref<1x1024xf32, #tpu.memory_space<hbm>>
    tpu.wait_dma2 semaphore(%arg6 : memref<!tpu.dma_semaphore, #tpu.memory_space<semaphore_mem>>) src(%dma_wait3A_624 : memref<1x1024xf32, #tpu.memory_space<hbm>>) dst(%dma_wait3A_622 : memref<1x1024xf32, #tpu.memory_space<vmem>>)
    %dma_wait3A_625 = arith.constant 36 : i32
    %dma_wait3A_626 = arith.constant 0 : i32
    %dma_wait3A_627 = tpu.memref_slice %arg5[%dma_wait3A_625, %dma_wait3A_626] : memref<64x1024xf32, #tpu.memory_space<vmem>> -> memref<1x1024xf32, #tpu.memory_space<vmem>>
    %dma_wait3A_628 = arith.constant 0 : i32
    %dma_wait3A_629 = tpu.memref_slice %arg1[%get3A_251, %dma_wait3A_628] : memref<131072x1024xf32, #tpu.memory_space<hbm>> -> memref<1x1024xf32, #tpu.memory_space<hbm>>
    tpu.wait_dma2 semaphore(%arg6 : memref<!tpu.dma_semaphore, #tpu.memory_space<semaphore_mem>>) src(%dma_wait3A_629 : memref<1x1024xf32, #tpu.memory_space<hbm>>) dst(%dma_wait3A_627 : memref<1x1024xf32, #tpu.memory_space<vmem>>)
    %dma_wait3A_630 = arith.constant 37 : i32
    %dma_wait3A_631 = arith.constant 0 : i32
    %dma_wait3A_632 = tpu.memref_slice %arg5[%dma_wait3A_630, %dma_wait3A_631] : memref<64x1024xf32, #tpu.memory_space<vmem>> -> memref<1x1024xf32, #tpu.memory_space<vmem>>
    %dma_wait3A_633 = arith.constant 0 : i32
    %dma_wait3A_634 = tpu.memref_slice %arg1[%get3A_258, %dma_wait3A_633] : memref<131072x1024xf32, #tpu.memory_space<hbm>> -> memref<1x1024xf32, #tpu.memory_space<hbm>>
    tpu.wait_dma2 semaphore(%arg6 : memref<!tpu.dma_semaphore, #tpu.memory_space<semaphore_mem>>) src(%dma_wait3A_634 : memref<1x1024xf32, #tpu.memory_space<hbm>>) dst(%dma_wait3A_632 : memref<1x1024xf32, #tpu.memory_space<vmem>>)
    %dma_wait3A_635 = arith.constant 38 : i32
    %dma_wait3A_636 = arith.constant 0 : i32
    %dma_wait3A_637 = tpu.memref_slice %arg5[%dma_wait3A_635, %dma_wait3A_636] : memref<64x1024xf32, #tpu.memory_space<vmem>> -> memref<1x1024xf32, #tpu.memory_space<vmem>>
    %dma_wait3A_638 = arith.constant 0 : i32
    %dma_wait3A_639 = tpu.memref_slice %arg1[%get3A_265, %dma_wait3A_638] : memref<131072x1024xf32, #tpu.memory_space<hbm>> -> memref<1x1024xf32, #tpu.memory_space<hbm>>
    tpu.wait_dma2 semaphore(%arg6 : memref<!tpu.dma_semaphore, #tpu.memory_space<semaphore_mem>>) src(%dma_wait3A_639 : memref<1x1024xf32, #tpu.memory_space<hbm>>) dst(%dma_wait3A_637 : memref<1x1024xf32, #tpu.memory_space<vmem>>)
    %dma_wait3A_640 = arith.constant 39 : i32
    %dma_wait3A_641 = arith.constant 0 : i32
    %dma_wait3A_642 = tpu.memref_slice %arg5[%dma_wait3A_640, %dma_wait3A_641] : memref<64x1024xf32, #tpu.memory_space<vmem>> -> memref<1x1024xf32, #tpu.memory_space<vmem>>
    %dma_wait3A_643 = arith.constant 0 : i32
    %dma_wait3A_644 = tpu.memref_slice %arg1[%get3A_272, %dma_wait3A_643] : memref<131072x1024xf32, #tpu.memory_space<hbm>> -> memref<1x1024xf32, #tpu.memory_space<hbm>>
    tpu.wait_dma2 semaphore(%arg6 : memref<!tpu.dma_semaphore, #tpu.memory_space<semaphore_mem>>) src(%dma_wait3A_644 : memref<1x1024xf32, #tpu.memory_space<hbm>>) dst(%dma_wait3A_642 : memref<1x1024xf32, #tpu.memory_space<vmem>>)
    %dma_wait3A_645 = arith.constant 40 : i32
    %dma_wait3A_646 = arith.constant 0 : i32
    %dma_wait3A_647 = tpu.memref_slice %arg5[%dma_wait3A_645, %dma_wait3A_646] : memref<64x1024xf32, #tpu.memory_space<vmem>> -> memref<1x1024xf32, #tpu.memory_space<vmem>>
    %dma_wait3A_648 = arith.constant 0 : i32
    %dma_wait3A_649 = tpu.memref_slice %arg1[%get3A_279, %dma_wait3A_648] : memref<131072x1024xf32, #tpu.memory_space<hbm>> -> memref<1x1024xf32, #tpu.memory_space<hbm>>
    tpu.wait_dma2 semaphore(%arg6 : memref<!tpu.dma_semaphore, #tpu.memory_space<semaphore_mem>>) src(%dma_wait3A_649 : memref<1x1024xf32, #tpu.memory_space<hbm>>) dst(%dma_wait3A_647 : memref<1x1024xf32, #tpu.memory_space<vmem>>)
    %dma_wait3A_650 = arith.constant 41 : i32
    %dma_wait3A_651 = arith.constant 0 : i32
    %dma_wait3A_652 = tpu.memref_slice %arg5[%dma_wait3A_650, %dma_wait3A_651] : memref<64x1024xf32, #tpu.memory_space<vmem>> -> memref<1x1024xf32, #tpu.memory_space<vmem>>
    %dma_wait3A_653 = arith.constant 0 : i32
    %dma_wait3A_654 = tpu.memref_slice %arg1[%get3A_286, %dma_wait3A_653] : memref<131072x1024xf32, #tpu.memory_space<hbm>> -> memref<1x1024xf32, #tpu.memory_space<hbm>>
    tpu.wait_dma2 semaphore(%arg6 : memref<!tpu.dma_semaphore, #tpu.memory_space<semaphore_mem>>) src(%dma_wait3A_654 : memref<1x1024xf32, #tpu.memory_space<hbm>>) dst(%dma_wait3A_652 : memref<1x1024xf32, #tpu.memory_space<vmem>>)
    %dma_wait3A_655 = arith.constant 42 : i32
    %dma_wait3A_656 = arith.constant 0 : i32
    %dma_wait3A_657 = tpu.memref_slice %arg5[%dma_wait3A_655, %dma_wait3A_656] : memref<64x1024xf32, #tpu.memory_space<vmem>> -> memref<1x1024xf32, #tpu.memory_space<vmem>>
    %dma_wait3A_658 = arith.constant 0 : i32
    %dma_wait3A_659 = tpu.memref_slice %arg1[%get3A_293, %dma_wait3A_658] : memref<131072x1024xf32, #tpu.memory_space<hbm>> -> memref<1x1024xf32, #tpu.memory_space<hbm>>
    tpu.wait_dma2 semaphore(%arg6 : memref<!tpu.dma_semaphore, #tpu.memory_space<semaphore_mem>>) src(%dma_wait3A_659 : memref<1x1024xf32, #tpu.memory_space<hbm>>) dst(%dma_wait3A_657 : memref<1x1024xf32, #tpu.memory_space<vmem>>)
    %dma_wait3A_660 = arith.constant 43 : i32
    %dma_wait3A_661 = arith.constant 0 : i32
    %dma_wait3A_662 = tpu.memref_slice %arg5[%dma_wait3A_660, %dma_wait3A_661] : memref<64x1024xf32, #tpu.memory_space<vmem>> -> memref<1x1024xf32, #tpu.memory_space<vmem>>
    %dma_wait3A_663 = arith.constant 0 : i32
    %dma_wait3A_664 = tpu.memref_slice %arg1[%get3A_300, %dma_wait3A_663] : memref<131072x1024xf32, #tpu.memory_space<hbm>> -> memref<1x1024xf32, #tpu.memory_space<hbm>>
    tpu.wait_dma2 semaphore(%arg6 : memref<!tpu.dma_semaphore, #tpu.memory_space<semaphore_mem>>) src(%dma_wait3A_664 : memref<1x1024xf32, #tpu.memory_space<hbm>>) dst(%dma_wait3A_662 : memref<1x1024xf32, #tpu.memory_space<vmem>>)
    %dma_wait3A_665 = arith.constant 44 : i32
    %dma_wait3A_666 = arith.constant 0 : i32
    %dma_wait3A_667 = tpu.memref_slice %arg5[%dma_wait3A_665, %dma_wait3A_666] : memref<64x1024xf32, #tpu.memory_space<vmem>> -> memref<1x1024xf32, #tpu.memory_space<vmem>>
    %dma_wait3A_668 = arith.constant 0 : i32
    %dma_wait3A_669 = tpu.memref_slice %arg1[%get3A_307, %dma_wait3A_668] : memref<131072x1024xf32, #tpu.memory_space<hbm>> -> memref<1x1024xf32, #tpu.memory_space<hbm>>
    tpu.wait_dma2 semaphore(%arg6 : memref<!tpu.dma_semaphore, #tpu.memory_space<semaphore_mem>>) src(%dma_wait3A_669 : memref<1x1024xf32, #tpu.memory_space<hbm>>) dst(%dma_wait3A_667 : memref<1x1024xf32, #tpu.memory_space<vmem>>)
    %dma_wait3A_670 = arith.constant 45 : i32
    %dma_wait3A_671 = arith.constant 0 : i32
    %dma_wait3A_672 = tpu.memref_slice %arg5[%dma_wait3A_670, %dma_wait3A_671] : memref<64x1024xf32, #tpu.memory_space<vmem>> -> memref<1x1024xf32, #tpu.memory_space<vmem>>
    %dma_wait3A_673 = arith.constant 0 : i32
    %dma_wait3A_674 = tpu.memref_slice %arg1[%get3A_314, %dma_wait3A_673] : memref<131072x1024xf32, #tpu.memory_space<hbm>> -> memref<1x1024xf32, #tpu.memory_space<hbm>>
    tpu.wait_dma2 semaphore(%arg6 : memref<!tpu.dma_semaphore, #tpu.memory_space<semaphore_mem>>) src(%dma_wait3A_674 : memref<1x1024xf32, #tpu.memory_space<hbm>>) dst(%dma_wait3A_672 : memref<1x1024xf32, #tpu.memory_space<vmem>>)
    %dma_wait3A_675 = arith.constant 46 : i32
    %dma_wait3A_676 = arith.constant 0 : i32
    %dma_wait3A_677 = tpu.memref_slice %arg5[%dma_wait3A_675, %dma_wait3A_676] : memref<64x1024xf32, #tpu.memory_space<vmem>> -> memref<1x1024xf32, #tpu.memory_space<vmem>>
    %dma_wait3A_678 = arith.constant 0 : i32
    %dma_wait3A_679 = tpu.memref_slice %arg1[%get3A_321, %dma_wait3A_678] : memref<131072x1024xf32, #tpu.memory_space<hbm>> -> memref<1x1024xf32, #tpu.memory_space<hbm>>
    tpu.wait_dma2 semaphore(%arg6 : memref<!tpu.dma_semaphore, #tpu.memory_space<semaphore_mem>>) src(%dma_wait3A_679 : memref<1x1024xf32, #tpu.memory_space<hbm>>) dst(%dma_wait3A_677 : memref<1x1024xf32, #tpu.memory_space<vmem>>)
    %dma_wait3A_680 = arith.constant 47 : i32
    %dma_wait3A_681 = arith.constant 0 : i32
    %dma_wait3A_682 = tpu.memref_slice %arg5[%dma_wait3A_680, %dma_wait3A_681] : memref<64x1024xf32, #tpu.memory_space<vmem>> -> memref<1x1024xf32, #tpu.memory_space<vmem>>
    %dma_wait3A_683 = arith.constant 0 : i32
    %dma_wait3A_684 = tpu.memref_slice %arg1[%get3A_328, %dma_wait3A_683] : memref<131072x1024xf32, #tpu.memory_space<hbm>> -> memref<1x1024xf32, #tpu.memory_space<hbm>>
    tpu.wait_dma2 semaphore(%arg6 : memref<!tpu.dma_semaphore, #tpu.memory_space<semaphore_mem>>) src(%dma_wait3A_684 : memref<1x1024xf32, #tpu.memory_space<hbm>>) dst(%dma_wait3A_682 : memref<1x1024xf32, #tpu.memory_space<vmem>>)
    %dma_wait3A_685 = arith.constant 48 : i32
    %dma_wait3A_686 = arith.constant 0 : i32
    %dma_wait3A_687 = tpu.memref_slice %arg5[%dma_wait3A_685, %dma_wait3A_686] : memref<64x1024xf32, #tpu.memory_space<vmem>> -> memref<1x1024xf32, #tpu.memory_space<vmem>>
    %dma_wait3A_688 = arith.constant 0 : i32
    %dma_wait3A_689 = tpu.memref_slice %arg1[%get3A_335, %dma_wait3A_688] : memref<131072x1024xf32, #tpu.memory_space<hbm>> -> memref<1x1024xf32, #tpu.memory_space<hbm>>
    tpu.wait_dma2 semaphore(%arg6 : memref<!tpu.dma_semaphore, #tpu.memory_space<semaphore_mem>>) src(%dma_wait3A_689 : memref<1x1024xf32, #tpu.memory_space<hbm>>) dst(%dma_wait3A_687 : memref<1x1024xf32, #tpu.memory_space<vmem>>)
    %dma_wait3A_690 = arith.constant 49 : i32
    %dma_wait3A_691 = arith.constant 0 : i32
    %dma_wait3A_692 = tpu.memref_slice %arg5[%dma_wait3A_690, %dma_wait3A_691] : memref<64x1024xf32, #tpu.memory_space<vmem>> -> memref<1x1024xf32, #tpu.memory_space<vmem>>
    %dma_wait3A_693 = arith.constant 0 : i32
    %dma_wait3A_694 = tpu.memref_slice %arg1[%get3A_342, %dma_wait3A_693] : memref<131072x1024xf32, #tpu.memory_space<hbm>> -> memref<1x1024xf32, #tpu.memory_space<hbm>>
    tpu.wait_dma2 semaphore(%arg6 : memref<!tpu.dma_semaphore, #tpu.memory_space<semaphore_mem>>) src(%dma_wait3A_694 : memref<1x1024xf32, #tpu.memory_space<hbm>>) dst(%dma_wait3A_692 : memref<1x1024xf32, #tpu.memory_space<vmem>>)
    %dma_wait3A_695 = arith.constant 50 : i32
    %dma_wait3A_696 = arith.constant 0 : i32
    %dma_wait3A_697 = tpu.memref_slice %arg5[%dma_wait3A_695, %dma_wait3A_696] : memref<64x1024xf32, #tpu.memory_space<vmem>> -> memref<1x1024xf32, #tpu.memory_space<vmem>>
    %dma_wait3A_698 = arith.constant 0 : i32
    %dma_wait3A_699 = tpu.memref_slice %arg1[%get3A_349, %dma_wait3A_698] : memref<131072x1024xf32, #tpu.memory_space<hbm>> -> memref<1x1024xf32, #tpu.memory_space<hbm>>
    tpu.wait_dma2 semaphore(%arg6 : memref<!tpu.dma_semaphore, #tpu.memory_space<semaphore_mem>>) src(%dma_wait3A_699 : memref<1x1024xf32, #tpu.memory_space<hbm>>) dst(%dma_wait3A_697 : memref<1x1024xf32, #tpu.memory_space<vmem>>)
    %dma_wait3A_700 = arith.constant 51 : i32
    %dma_wait3A_701 = arith.constant 0 : i32
    %dma_wait3A_702 = tpu.memref_slice %arg5[%dma_wait3A_700, %dma_wait3A_701] : memref<64x1024xf32, #tpu.memory_space<vmem>> -> memref<1x1024xf32, #tpu.memory_space<vmem>>
    %dma_wait3A_703 = arith.constant 0 : i32
    %dma_wait3A_704 = tpu.memref_slice %arg1[%get3A_356, %dma_wait3A_703] : memref<131072x1024xf32, #tpu.memory_space<hbm>> -> memref<1x1024xf32, #tpu.memory_space<hbm>>
    tpu.wait_dma2 semaphore(%arg6 : memref<!tpu.dma_semaphore, #tpu.memory_space<semaphore_mem>>) src(%dma_wait3A_704 : memref<1x1024xf32, #tpu.memory_space<hbm>>) dst(%dma_wait3A_702 : memref<1x1024xf32, #tpu.memory_space<vmem>>)
    %dma_wait3A_705 = arith.constant 52 : i32
    %dma_wait3A_706 = arith.constant 0 : i32
    %dma_wait3A_707 = tpu.memref_slice %arg5[%dma_wait3A_705, %dma_wait3A_706] : memref<64x1024xf32, #tpu.memory_space<vmem>> -> memref<1x1024xf32, #tpu.memory_space<vmem>>
    %dma_wait3A_708 = arith.constant 0 : i32
    %dma_wait3A_709 = tpu.memref_slice %arg1[%get3A_363, %dma_wait3A_708] : memref<131072x1024xf32, #tpu.memory_space<hbm>> -> memref<1x1024xf32, #tpu.memory_space<hbm>>
    tpu.wait_dma2 semaphore(%arg6 : memref<!tpu.dma_semaphore, #tpu.memory_space<semaphore_mem>>) src(%dma_wait3A_709 : memref<1x1024xf32, #tpu.memory_space<hbm>>) dst(%dma_wait3A_707 : memref<1x1024xf32, #tpu.memory_space<vmem>>)
    %dma_wait3A_710 = arith.constant 53 : i32
    %dma_wait3A_711 = arith.constant 0 : i32
    %dma_wait3A_712 = tpu.memref_slice %arg5[%dma_wait3A_710, %dma_wait3A_711] : memref<64x1024xf32, #tpu.memory_space<vmem>> -> memref<1x1024xf32, #tpu.memory_space<vmem>>
    %dma_wait3A_713 = arith.constant 0 : i32
    %dma_wait3A_714 = tpu.memref_slice %arg1[%get3A_370, %dma_wait3A_713] : memref<131072x1024xf32, #tpu.memory_space<hbm>> -> memref<1x1024xf32, #tpu.memory_space<hbm>>
    tpu.wait_dma2 semaphore(%arg6 : memref<!tpu.dma_semaphore, #tpu.memory_space<semaphore_mem>>) src(%dma_wait3A_714 : memref<1x1024xf32, #tpu.memory_space<hbm>>) dst(%dma_wait3A_712 : memref<1x1024xf32, #tpu.memory_space<vmem>>)
    %dma_wait3A_715 = arith.constant 54 : i32
    %dma_wait3A_716 = arith.constant 0 : i32
    %dma_wait3A_717 = tpu.memref_slice %arg5[%dma_wait3A_715, %dma_wait3A_716] : memref<64x1024xf32, #tpu.memory_space<vmem>> -> memref<1x1024xf32, #tpu.memory_space<vmem>>
    %dma_wait3A_718 = arith.constant 0 : i32
    %dma_wait3A_719 = tpu.memref_slice %arg1[%get3A_377, %dma_wait3A_718] : memref<131072x1024xf32, #tpu.memory_space<hbm>> -> memref<1x1024xf32, #tpu.memory_space<hbm>>
    tpu.wait_dma2 semaphore(%arg6 : memref<!tpu.dma_semaphore, #tpu.memory_space<semaphore_mem>>) src(%dma_wait3A_719 : memref<1x1024xf32, #tpu.memory_space<hbm>>) dst(%dma_wait3A_717 : memref<1x1024xf32, #tpu.memory_space<vmem>>)
    %dma_wait3A_720 = arith.constant 55 : i32
    %dma_wait3A_721 = arith.constant 0 : i32
    %dma_wait3A_722 = tpu.memref_slice %arg5[%dma_wait3A_720, %dma_wait3A_721] : memref<64x1024xf32, #tpu.memory_space<vmem>> -> memref<1x1024xf32, #tpu.memory_space<vmem>>
    %dma_wait3A_723 = arith.constant 0 : i32
    %dma_wait3A_724 = tpu.memref_slice %arg1[%get3A_384, %dma_wait3A_723] : memref<131072x1024xf32, #tpu.memory_space<hbm>> -> memref<1x1024xf32, #tpu.memory_space<hbm>>
    tpu.wait_dma2 semaphore(%arg6 : memref<!tpu.dma_semaphore, #tpu.memory_space<semaphore_mem>>) src(%dma_wait3A_724 : memref<1x1024xf32, #tpu.memory_space<hbm>>) dst(%dma_wait3A_722 : memref<1x1024xf32, #tpu.memory_space<vmem>>)
    %dma_wait3A_725 = arith.constant 56 : i32
    %dma_wait3A_726 = arith.constant 0 : i32
    %dma_wait3A_727 = tpu.memref_slice %arg5[%dma_wait3A_725, %dma_wait3A_726] : memref<64x1024xf32, #tpu.memory_space<vmem>> -> memref<1x1024xf32, #tpu.memory_space<vmem>>
    %dma_wait3A_728 = arith.constant 0 : i32
    %dma_wait3A_729 = tpu.memref_slice %arg1[%get3A_391, %dma_wait3A_728] : memref<131072x1024xf32, #tpu.memory_space<hbm>> -> memref<1x1024xf32, #tpu.memory_space<hbm>>
    tpu.wait_dma2 semaphore(%arg6 : memref<!tpu.dma_semaphore, #tpu.memory_space<semaphore_mem>>) src(%dma_wait3A_729 : memref<1x1024xf32, #tpu.memory_space<hbm>>) dst(%dma_wait3A_727 : memref<1x1024xf32, #tpu.memory_space<vmem>>)
    %dma_wait3A_730 = arith.constant 57 : i32
    %dma_wait3A_731 = arith.constant 0 : i32
    %dma_wait3A_732 = tpu.memref_slice %arg5[%dma_wait3A_730, %dma_wait3A_731] : memref<64x1024xf32, #tpu.memory_space<vmem>> -> memref<1x1024xf32, #tpu.memory_space<vmem>>
    %dma_wait3A_733 = arith.constant 0 : i32
    %dma_wait3A_734 = tpu.memref_slice %arg1[%get3A_398, %dma_wait3A_733] : memref<131072x1024xf32, #tpu.memory_space<hbm>> -> memref<1x1024xf32, #tpu.memory_space<hbm>>
    tpu.wait_dma2 semaphore(%arg6 : memref<!tpu.dma_semaphore, #tpu.memory_space<semaphore_mem>>) src(%dma_wait3A_734 : memref<1x1024xf32, #tpu.memory_space<hbm>>) dst(%dma_wait3A_732 : memref<1x1024xf32, #tpu.memory_space<vmem>>)
    %dma_wait3A_735 = arith.constant 58 : i32
    %dma_wait3A_736 = arith.constant 0 : i32
    %dma_wait3A_737 = tpu.memref_slice %arg5[%dma_wait3A_735, %dma_wait3A_736] : memref<64x1024xf32, #tpu.memory_space<vmem>> -> memref<1x1024xf32, #tpu.memory_space<vmem>>
    %dma_wait3A_738 = arith.constant 0 : i32
    %dma_wait3A_739 = tpu.memref_slice %arg1[%get3A_405, %dma_wait3A_738] : memref<131072x1024xf32, #tpu.memory_space<hbm>> -> memref<1x1024xf32, #tpu.memory_space<hbm>>
    tpu.wait_dma2 semaphore(%arg6 : memref<!tpu.dma_semaphore, #tpu.memory_space<semaphore_mem>>) src(%dma_wait3A_739 : memref<1x1024xf32, #tpu.memory_space<hbm>>) dst(%dma_wait3A_737 : memref<1x1024xf32, #tpu.memory_space<vmem>>)
    %dma_wait3A_740 = arith.constant 59 : i32
    %dma_wait3A_741 = arith.constant 0 : i32
    %dma_wait3A_742 = tpu.memref_slice %arg5[%dma_wait3A_740, %dma_wait3A_741] : memref<64x1024xf32, #tpu.memory_space<vmem>> -> memref<1x1024xf32, #tpu.memory_space<vmem>>
    %dma_wait3A_743 = arith.constant 0 : i32
    %dma_wait3A_744 = tpu.memref_slice %arg1[%get3A_412, %dma_wait3A_743] : memref<131072x1024xf32, #tpu.memory_space<hbm>> -> memref<1x1024xf32, #tpu.memory_space<hbm>>
    tpu.wait_dma2 semaphore(%arg6 : memref<!tpu.dma_semaphore, #tpu.memory_space<semaphore_mem>>) src(%dma_wait3A_744 : memref<1x1024xf32, #tpu.memory_space<hbm>>) dst(%dma_wait3A_742 : memref<1x1024xf32, #tpu.memory_space<vmem>>)
    %dma_wait3A_745 = arith.constant 60 : i32
    %dma_wait3A_746 = arith.constant 0 : i32
    %dma_wait3A_747 = tpu.memref_slice %arg5[%dma_wait3A_745, %dma_wait3A_746] : memref<64x1024xf32, #tpu.memory_space<vmem>> -> memref<1x1024xf32, #tpu.memory_space<vmem>>
    %dma_wait3A_748 = arith.constant 0 : i32
    %dma_wait3A_749 = tpu.memref_slice %arg1[%get3A_419, %dma_wait3A_748] : memref<131072x1024xf32, #tpu.memory_space<hbm>> -> memref<1x1024xf32, #tpu.memory_space<hbm>>
    tpu.wait_dma2 semaphore(%arg6 : memref<!tpu.dma_semaphore, #tpu.memory_space<semaphore_mem>>) src(%dma_wait3A_749 : memref<1x1024xf32, #tpu.memory_space<hbm>>) dst(%dma_wait3A_747 : memref<1x1024xf32, #tpu.memory_space<vmem>>)
    %dma_wait3A_750 = arith.constant 61 : i32
    %dma_wait3A_751 = arith.constant 0 : i32
    %dma_wait3A_752 = tpu.memref_slice %arg5[%dma_wait3A_750, %dma_wait3A_751] : memref<64x1024xf32, #tpu.memory_space<vmem>> -> memref<1x1024xf32, #tpu.memory_space<vmem>>
    %dma_wait3A_753 = arith.constant 0 : i32
    %dma_wait3A_754 = tpu.memref_slice %arg1[%get3A_426, %dma_wait3A_753] : memref<131072x1024xf32, #tpu.memory_space<hbm>> -> memref<1x1024xf32, #tpu.memory_space<hbm>>
    tpu.wait_dma2 semaphore(%arg6 : memref<!tpu.dma_semaphore, #tpu.memory_space<semaphore_mem>>) src(%dma_wait3A_754 : memref<1x1024xf32, #tpu.memory_space<hbm>>) dst(%dma_wait3A_752 : memref<1x1024xf32, #tpu.memory_space<vmem>>)
    %dma_wait3A_755 = arith.constant 62 : i32
    %dma_wait3A_756 = arith.constant 0 : i32
    %dma_wait3A_757 = tpu.memref_slice %arg5[%dma_wait3A_755, %dma_wait3A_756] : memref<64x1024xf32, #tpu.memory_space<vmem>> -> memref<1x1024xf32, #tpu.memory_space<vmem>>
    %dma_wait3A_758 = arith.constant 0 : i32
    %dma_wait3A_759 = tpu.memref_slice %arg1[%get3A_433, %dma_wait3A_758] : memref<131072x1024xf32, #tpu.memory_space<hbm>> -> memref<1x1024xf32, #tpu.memory_space<hbm>>
    tpu.wait_dma2 semaphore(%arg6 : memref<!tpu.dma_semaphore, #tpu.memory_space<semaphore_mem>>) src(%dma_wait3A_759 : memref<1x1024xf32, #tpu.memory_space<hbm>>) dst(%dma_wait3A_757 : memref<1x1024xf32, #tpu.memory_space<vmem>>)
    %dma_wait3A_760 = arith.constant 63 : i32
    %dma_wait3A_761 = arith.constant 0 : i32
    %dma_wait3A_762 = tpu.memref_slice %arg5[%dma_wait3A_760, %dma_wait3A_761] : memref<64x1024xf32, #tpu.memory_space<vmem>> -> memref<1x1024xf32, #tpu.memory_space<vmem>>
    %dma_wait3A_763 = arith.constant 0 : i32
    %dma_wait3A_764 = tpu.memref_slice %arg1[%get3A_440, %dma_wait3A_763] : memref<131072x1024xf32, #tpu.memory_space<hbm>> -> memref<1x1024xf32, #tpu.memory_space<hbm>>
    tpu.wait_dma2 semaphore(%arg6 : memref<!tpu.dma_semaphore, #tpu.memory_space<semaphore_mem>>) src(%dma_wait3A_764 : memref<1x1024xf32, #tpu.memory_space<hbm>>) dst(%dma_wait3A_762 : memref<1x1024xf32, #tpu.memory_space<vmem>>)
    %get3A_765 = arith.constant 0 : index
    %get3A_766 = arith.constant 0 : index
    %get3A_767 = vector.load %arg5[%get3A_765, %get3A_766] : memref<64x1024xf32, #tpu.memory_space<vmem>>, vector<64x1024xf32>
    %get3A_768 = arith.constant 0 : index
    %get3A_769 = arith.constant 0 : index
    %get3A_770 = vector.load %arg2[%get3A_768, %get3A_769] : memref<256x1024xf32, #tpu.memory_space<vmem>>, vector<256x1024xf32>
    %dot_general3A = arith.constant dense<0.000000e+00> : vector<64x256xf32>
    %dot_general3A_771 = tpu.matmul %get3A_767, %get3A_770, %dot_general3A {dimension_numbers = #tpu.dot_dimension_numbers<[1], [1], [0], [0], [0, 0, 1, 0], [], []>, transpose_lhs_hint = false} : vector<64x1024xf32>, vector<256x1024xf32>, vector<64x256xf32> -> vector<64x256xf32>
    %get3A_772 = arith.constant 0 : index
    %get3A_773 = arith.constant 0 : index
    %get3A_774 = vector.load %arg3[%get3A_772, %get3A_773] : memref<1x256xf32, #tpu.memory_space<vmem>>, vector<1x256xf32>
    %add3A = vector.broadcast %get3A_774 : vector<1x256xf32> to vector<64x256xf32>
    %add3A_775 = arith.addf %dot_general3A_771, %add3A : vector<64x256xf32>
    %swap3A = arith.constant 0 : index
    %swap3A_776 = arith.constant 0 : index
    %swap3A_777 = vector.load %arg4[%swap3A, %swap3A_776] : memref<64x256xf32, #tpu.memory_space<vmem>>, vector<64x256xf32>
    tpu.vector_store %arg4[%swap3A, %swap3A_776], %add3A_775 {strides = array<i32>} : memref<64x256xf32, #tpu.memory_space<vmem>>, vector<64x256xf32>,
    return
  }
}

</mosaic_0001>

<sc_bundles>
// kernel: kernel.5.cloned.1.call-start
scs
__scs_entry_jumppad:
0x0: {  	(pc) =	sbr.rel $0x88, $3  }
0x1: {  	(tag) =	ssettag $0x0;
	lr =	simm.s32 $0x1  }
0x2: {  	[smem:$0x3F9C] =	sst lr;
	_ =	strace $0xD0000000  }
0x3: {  	_ = 	snop  }
0x4: {  	_ = 	snop  }
0x5: {  	_ = 	snop  }
0x6: {  	_ = 	snop  }
0x7: {  	_ = 	snop  }
__scs_overlays_trampoline_lowered:
0x8: {  	[smem:$0x3FAB] =	sst s0  }
0x9: {  	[smem:$0x3FAC] =	sst s1  }
0xa: {  	[smem:$0x3FAD] =	sst s2  }
0xb: {  	[smem:$0x3FAE] =	sst s3  }
0xc: {  	[smem:$0x3FAF] =	sst s4  }
0xd: {  	[smem:$0x3FB0] =	sst s5  }
0xe: {  	[smem:$0x3FB1] =	sst s6  }
0xf: {  	[smem:$0x3FB2] =	sst s7  }
0x10: {  	[smem:$0x3FB3] =	sst s8  }
0x11: {  	[smem:$0x3FB4] =	sst s9;
	s0 =	simm.s32 @!p0 $0x0  }
0x12: {  	s1 =	sld [smem:$0x3F9A];
	s0 =	simm.s32 @p0 $0x1  }
0x13: {  	[smem:$0x3FB5] =	sst s0;
	s0 =	simm.s32 @!p1 $0x0  }
0x14: {  	s2 =	sld [smem:$0x3F99];
	s0 =	simm.s32 @p1 $0x1  }
0x15: {  	[smem:$0x3FB6] =	sst s0;
	s0 =	simm.s32 @!p2 $0x0  }
0x16: {  	s3 =	sld [smem:$0x3FDB];
	s0 =	simm.s32 @p2 $0x1  }
0x17: {  	s4 =	simm.s32 $0x1BF5;
	[smem:$0x3FB8] =	sst s0  }
0x18: {  	s0 =	sld [smem:$0x3F9B];
	_ =	swait.ge [sflag:s4], $0x0  }
0x19: {  	s7 =	sld [smem:$0x3F9C]  }
0x1a: {  	s8 =	sadd.s32 $0xFFFFE003, lr  }
0x1b: {  	s9 =	sadd.s32 $0xFFFFFEF7, lr;
	s5 =	simm.s32 $0xFFFFFFFF;
	p2 =	slt.u32 s8, $0xFFFFF086  }
0x1c: {  	p1 =	slt.u32 s9, $0xF7A;
	s5 =	simm.s32 @!p2 $0x0  }
0x1d: {  	s5 =	simm.s32 @p1 $0x1;
	p0 =	seq.s32 s7, s2  }
0x1e: {  	s7 =	smul.u32 @!p0 $0xF7A, s2;
	p2 =	seq.s32 @!p0 s5, $0x0  }
0x1f: {  	s9 =	smul.u32 $0xF7A, s1;
	s8 =	simm.s32 @!p0 $0x1BF5;
	p2 =	por !p2, p0  }
0x20: {  	[sflag:s8] =	ssyncset.s32 @!p0 $0xFFFFF086;
	s6 =	sadd.s32 @!p0 s3, s7;
	s7 =	simm.s32 @!p0 $0x108  }
0x21: {  	s3 =	sadd.s32 s3, s9;
	s6 =	sadd.s32 @!p0 $0x88, s6;
	s7 =	simm.s32 @p2 $0x1082  }
0x22: {  	[simem:s7], [sflag:s8] =	dma.local @!p0 [hbm:s6], $0xF7A  }
0x23: {  	s9 =	sor.u32 $0xD0000000, s2;
	s6 =	simm.s32 $0x108;
	_ =	swait.ge @!p0 [sflag:s8], $0x0  }
0x24: {  	s3 =	sadd.s32 $0x88, s3;
	s6 =	simm.s32 @!p1 $0x1082;
	[sflag:s4] =	ssyncset.s32 $0xFFFFF086  }
0x25: {  	[simem:s6], [sflag:s4] =	dma.local [hbm:s3], $0xF7A  }
0x26: {  	[smem:$0x3F9C] =	sst s1;
	(tag) =	ssettag s2;
	_ =	strace s9  }
0x27: {  	s1 =	sld [smem:$0x3FAC]  }
0x28: {  	s2 =	sld [smem:$0x3FAD]  }
0x29: {  	s4 =	sld [smem:$0x3FAF]  }
0x2a: {  	p0 =	seq.s32 s5, $0x0;
	s5 =	sld [smem:$0x3FB0]  }
0x2b: {  	s6 =	sld [smem:$0x3FB1]  }
0x2c: {  	s7 =	sld [smem:$0x3FB2]  }
0x2d: {  	s3 =	simm.s32 $0x108;
	s8 =	sld [smem:$0x3FB3]  }
0x2e: {  	s3 =	simm.s32 @!p0 $0x1082;
	s9 =	sld [smem:$0x3FB4]  }
0x2f: {  	lr =	sadd.s32 s0, s3;
	s0 =	sld [smem:$0x3FAB]  }
0x30: {  	s3 =	sld [smem:$0x3FAE]  }
0x31: {  	[smem:$0x3FB7] =	sst s10  }
0x32: {  	s10 =	sld [smem:$0x3FB5];
	_ =	sdelay $0x3  }
0x33: {  	p0 =	seq.s32 s10, $0x1;
	s10 =	sld [smem:$0x3FB7];
	_ =	sdelay $0x3  }
0x34: {  	[smem:$0x3FB7] =	sst s10  }
0x35: {  	s10 =	sld [smem:$0x3FB6];
	_ =	sdelay $0x3  }
0x36: {  	p1 =	seq.s32 s10, $0x1;
	s10 =	sld [smem:$0x3FB7];
	_ =	sdelay $0x3  }
0x37: {  	[smem:$0x3FB7] =	sst s10  }
0x38: {  	s10 =	sld [smem:$0x3FB8]  }
0x39: {  	_ = 	snop;
	(pc) =	sbr.ind lr, $3  }
0x3a: {  	_ = 	snop  }
0x3b: {  	_ = 	snop  }
0x3c: {  	p2 =	seq.s32 s10, $0x1;
	s10 =	sld [smem:$0x3FB7]  }
0x3d: {  	_ =	shalt  }
0x3e: {  	_ =	shalt  }
0x3f: {  	_ =	shalt  }
0x40: {  	_ =	shalt  }
0x41: {  	_ =	shalt  }
0x42: {  	_ =	shalt  }
0x43: {  	_ =	shalt  }
0x44: {  	_ =	shalt  }
0x45: {  	_ =	shalt  }
0x46: {  	_ =	shalt  }
0x47: {  	_ =	shalt  }
0x48: {  	_ =	shalt  }
0x49: {  	_ =	shalt  }
0x4a: {  	_ =	shalt  }
0x4b: {  	_ =	shalt  }
0x4c: {  	_ =	shalt  }
0x4d: {  	_ =	shalt  }
0x4e: {  	_ =	shalt  }
0x4f: {  	_ =	shalt  }
0x50: {  	_ =	shalt  }
0x51: {  	_ =	shalt  }
0x52: {  	_ =	shalt  }
0x53: {  	_ =	shalt  }
0x54: {  	_ =	shalt  }
0x55: {  	_ =	shalt  }
0x56: {  	_ =	shalt  }
0x57: {  	_ =	shalt  }
0x58: {  	_ =	shalt  }
0x59: {  	_ =	shalt  }
0x5a: {  	_ =	shalt  }
0x5b: {  	_ =	shalt  }
0x5c: {  	_ =	shalt  }
0x5d: {  	_ =	shalt  }
0x5e: {  	_ =	shalt  }
0x5f: {  	_ =	shalt  }
0x60: {  	_ =	shalt  }
0x61: {  	_ =	shalt  }
0x62: {  	_ =	shalt  }
0x63: {  	_ =	shalt  }
0x64: {  	_ =	shalt  }
0x65: {  	_ =	shalt  }
0x66: {  	_ =	shalt  }
0x67: {  	_ =	shalt  }
0x68: {  	_ =	shalt  }
0x69: {  	_ =	shalt  }
0x6a: {  	_ =	shalt  }
0x6b: {  	_ =	shalt  }
0x6c: {  	_ =	shalt  }
0x6d: {  	_ =	shalt  }
0x6e: {  	_ =	shalt  }
0x6f: {  	_ =	shalt  }
0x70: {  	_ =	shalt  }
0x71: {  	_ =	shalt  }
0x72: {  	_ =	shalt  }
0x73: {  	_ =	shalt  }
0x74: {  	_ =	shalt  }
0x75: {  	_ =	shalt  }
0x76: {  	_ =	shalt  }
0x77: {  	_ =	shalt  }
0x78: {  	_ =	shalt  }
0x79: {  	_ =	shalt  }
0x7a: {  	_ =	shalt  }
0x7b: {  	_ =	shalt  }
0x7c: {  	_ =	shalt  }
0x7d: {  	_ =	shalt  }
0x7e: {  	_ =	shalt  }
0x7f: {  	_ =	shalt  }
0x80: {  	_ =	shalt  }
0x81: {  	_ =	shalt  }
0x82: {  	_ =	shalt  }
0x83: {  	_ =	shalt  }
0x84: {  	_ =	shalt  }
0x85: {  	_ =	shalt  }
0x86: {  	_ =	shalt  }
0x87: {  	_ =	shalt  }
.Lfunc_end0:
.L_simem_size_0:
called_computation_lowered:
.L_overlay_start_0:
0x88: {  	s0 =	sld [smem:$0x3FD9]  }
0x89: {  	s1 =	sld [smem:$0x3FFE];
	_ =	sdelay $0x3  }
0x8a: {  	s0 =	sadd.s32 s1, s0  }
0x8b: {  	[smem:$0x3FC3] =	sst s0  }
0x8c: {  	_ = 	snop  }
0x8d: {  	s0 =	sld [smem:$0x3FC9]  }
0x8e: {  	s16 =	sld [smem:$0x3FD0];
	(tm) =	ssettm $0x1  }
0x8f: {  	s2 =	sld [smem:$0x3FFB];
	_ =	sdelay $0x3  }
0x90: {  	_ =	strace s2  }
0x91: {  	s2 =	sld [smem:$0x3FFC];
	_ =	sdelay $0x3  }
0x92: {  	_ =	strace s2  }
0x93: {  	s2 =	sld [smem:$0x3FFD];
	_ =	sdelay $0x3  }
0x94: {  	_ =	strace s2  }
0x95: {  	_ =	strace $0x8FFFFFFF  }
0x96: {  	s17 =	sld [smem:$0x3FDB];
	_ =	sdelay $0x1  }
0x97: {  	s3 =	simm.s32 $_scs_section_size  }
0x98: {  	s4 =	simm.s32 $_size__tile_overlayer_lowered;
	s5 =	simm.s32 $_tile_overlayer_lowered  }
0x99: {  	s20 =	simm.s32 $0x1BFF;
	s19 =	sshll.u32 s5, $0x1;
	s2 =	sadd.s32 s3, s17  }
0x9a: {  	s6 =	simm.s32 $0x0;
	s18 =	sshll.u32 s4, $0x1;
	s4 =	sadd.s32 s19, s2  }
0x9b: {  	[timem:s6], [sflag:s20] =	dma.local [hbm:s4], s18  }
0x9c: {  	_ =	swait.ge [sflag:s20], s18  }
0x9d: {  	s3 =	ssub.s32 $0x0, s18;
	[sflag:s20] =	ssyncset.done $0x0  }
0x9e: {  	[sflag:s20] =	ssyncadd.s32 s3;
	_ =	sdelay $0x1  }
0x9f: {  	s21 =	simm.s32 $0x1B8B  }
0xa0: {  	_ =	swait.ge [sflag:s21], $0x1  }
0xa1: {  	[sflag:s21] =	ssyncset.done $0x0  }
0xa2: {  	s23 =	simm.s32 $0x1B8E;
	s22 =	sld [smem:$0x3FFE];
	[sflag:s21] =	ssyncadd.s32 $0xFFFFFFFF  }
0xa3: {  	s24 =	simm.s32 $execute0_lowered;
	[smem:$0x3FD2] =	sst s23  }
0xa4: {  	s4 =	sshll.u32 s24, $0x1;
	_ =	strace $0x80000046;
	[dreg:$0x1] =	wrdreg $0xFFFFFFFF  }
0xa5: {  	s25 =	simm.s32 $_size_execute0_lowered;
	s2 =	sadd.s32 s2, s4;
	[dreg:$0x0] =	wrdreg $0x0  }
0xa6: {  	s4 =	sshll.u32 s25, $0x1;
	[dreg:$0x2] =	wrdreg s2  }
0xa7: {  	[dreg:$0x3] =	wrdreg s4  }
0xa8: {  	[dreg:$0x4] =	wrdreg $0xC0  }
0xa9: {  	_ =	task [dreg:s6], $0x5FFFF  }
0xaa: {  	[dreg:$0x1] =	wrdreg $0xFFFFFFFF  }
0xab: {  	[dreg:$0x0] =	wrdreg $0x60  }
0xac: {  	[dreg:$0x2] =	wrdreg s16  }
0xad: {  	[dreg:$0x3] =	wrdreg s0  }
0xae: {  	[dreg:$0x4] =	wrdreg s22  }
0xaf: {  	[dreg:$0x5] =	wrdreg $0x9  }
0xb0: {  	_ =	task.clear_ibuf [dreg:s6], $0x6FFFF;
	_ =	strace $0x90000046  }
0xb1: {  	s26 =	simm.s32 $0x9;
	_ =	strace $0x80000048  }
0xb2: {  	_ =	swait.ge [sflag:s26], $0x1  }
0xb3: {  	[sflag:s26] =	ssyncadd.s32 $0xFFFFFFFF  }
0xb4: {  	_ =	strace $0x90000048  }
0xb5: {  	_ =	sfence  }
0xb6: {  	s28 =	sld [smem:$0x0];
	_ =	sdelay $0x1  }
0xb7: {  	s29 =	srdreg.scid  }
0xb8: {  	s30 =	sshll.u32 s29, $0xD;
	s31 =	sshrl.u32 s29, $0x2  }
0xb9: {  	s1 =	sand.u32 $0x1, s29;
	s2 =	sand.u32 $0x4000, s30;
	s0 =	sadd.s32 s31, s28  }
0xba: {  	s1 =	sor.u32 s2, s1;
	s0 =	sshll.u32 s0, $0x11  }
0xbb: {  	s0 =	sor.u32 s0, s1  }
0xbc: {  	s0 =	sadd.s32 $0x8F2B, s0  }
0xbd: {  	[sflag:s0] =	ssyncadd.remote.s32 $0x1  }
0xbe: {  	_ =	sfence.sel $0xFFFF  }
0xbf: {  	[dreg:$0x0] =	wrdreg $0xFFFFFFFF;
	(pc) =	sbr.abs _section_cstart, $3  }
0xc0: {  	[dreg:$0x1] =	wrdreg $0xFFFFFFFF  }
0xc1: {  	_ =	task.clear_ibuf [dreg:s6], $0x2FFFF;
	_ =	strace $0x9FFFFFFF  }
0xc2: {  	(tm) =	ssettm $0x7FFFFFFF  }
0xc3: {  	_ =	shalt  }
tec
execute0_lowered:
.L_overlay_start_1:
0x0: {  	(tag) =	ssettag $0x1  }
0x1: {  	s0 =	rddreg [dreg:$0x0]  }
0x2: {  	s1 =	rddreg [dreg:$0x1]  }
0x3: {  	s2 =	rddreg [dreg:$0x2]  }
0x4: {  	s3 =	rddreg [dreg:$0x3];
	s4 =	simm.s32 $0x0;
	s5 =	stileid.u32  }
0x5: {  	[smem:$0x7FF] =	sst s4;
	s6 =	sshll.u32 s5, $0x4  }
0x6: {  	s24 =	simm.s32 $0x1;
	_ =	strace $0x80000047;
	s0 =	sadd.s32 s0, s6  }
0x7: {  	[tilespmem:s4], [sflag:$0x1] =	stream.linear.gather [hbm4b:s0+s4], $0x80, $0x38;
	[tilespmem:$0x1080] =	vst v63  }
0x8: {  	_ =	swait.ge [sflag:s24], $0x80  }
0x9: {  	[sflag:s24] =	ssyncset.done $0x0  }
0xa: {  	[sflag:s24] =	ssyncadd.s32 $0xFFFFFF80  }
0xb: {  	v0 =	vld.msk [tilespmem:$0x0], $0xf;
	_ =	sdelay $0x4  }
0xc: {  	v1 =	vshll.u32 v0, $0x3  }
0xd: {  	v2 =	vlaneseq.u32;
	v0 =	vand.u32 $0x7, v0;
	v1 =	vand.u32 $0xFFFFFFC0, v1  }
0xe: {  	v62 =	vand.u32 $0x3, v2;
	v2 =	vshrl.u32 v2, $0x2;
	v0 =	vor.u32 v0, v1  }
0xf: {  	v63 =	vmul.u32 $0x8, v2;
	v0 =	vperm.xlane v0, v62;
	_ =	sdelay $0x1  }
0x10: {  	v0 =	vadd.s32 v63, v0;
	_ =	sdelay $0x3  }
0x11: {  	vm0 =	vmmov $0xffff;
	s25 =	simm.s32 $0x80  }
0x12: {  	[tilespmem:s25], [sflag:$0x1] =	stream.indirect_vreg.gather [hbm4b:s1+s4], $0x80, v0, vm0, $0xb8;
	[tilespmem:$0x1080] =	vst v63  }
0x13: {  	s7 =	simm.s32 $0x880;
	s26 =	sshll.u32 s5, $0x6;
	s1 =	sadd.s32 $0x200, s1  }
0x14: {  	[tilespmem:s7], [sflag:$0x1] =	stream.indirect_vreg.gather [hbm4b:s1+s4], $0x80, v0, vm0, $0xb8;
	[tilespmem:$0x1080] =	vst v63  }
0x15: {  	s28 =	sshll.u32 s5, $0x9;
	s1 =	sand.u32 $0x40, s26  }
0x16: {  	s29 =	sand.u32 $0x1C00, s28;
	s1 =	sadd.s32 s1, s2;
	_ =	swait.ge [sflag:s24], $0x1000  }
0x17: {  	s30 =	simm.s32 $0x200;
	s1 =	sadd.s32 s29, s1;
	[sflag:s24] =	ssyncset.done $0x0  }
0x18: {  	s31 =	simm.s32 $0x400;
	s1 =	sadd.s32 $0xC00, s1;
	[sflag:s24] =	ssyncadd.s32 $0xFFFFF000  }
0x19: {  	[hbm4b:s1+s30] =	stream.strided.scatter [tilespmem:s25], [sflag:$0x1], $0x1000, s31, s30, $0x38;
	[tilespmem:$0x1080] =	vst v63  }
0x1a: {  	_ =	swait.ge [sflag:s24], $0x1000  }
0x1b: {  	[sflag:s24] =	ssyncset.done $0x0  }
0x1c: {  	[sflag:s24] =	ssyncadd.s32 $0xFFFFF000  }
0x1d: {  	_ =	sfence.sel $0x180000  }
0x1e: {  	[bflag:$0x0] =	sbarrier.arrive $0xFFFF  }
0x1f: {  	p0 =	sne.s32 s5, $0x0;
	_ =	strace $0x90000047  }
0x20: {  	s0 =	sadd.s32 @!p0 $0x100000, s3;
	[bflag:$0x2] =	sbarrier.arrive $0xFFFF  }
0x21: {  	[sflag:s0] =	ssyncadd.tile.s32 @!p0 $0x1;
	_ =	shalt  }
.Lfunc_end2:
_tile_overlayer_lowered:
.L_overlay_start_2:
0x22: {  	(tag) =	ssettag $0x2  }
0x23: {  	s0 =	rddreg [dreg:$0x0];
	s2 =	stileid.u32  }
0x24: {  	s1 =	rddreg [dreg:$0x1];
	p0 =	sne.s32 s2, $0x0  }
0x25: {  	s3 =	rddreg [dreg:$0x2];
	[bflag:$0x3] =	sbarrier.arrive $0xFFFF;
	s2 =	simm.s32 @!p0 $0x1C01  }
0x26: {  	[timem:s3], [sflag:s2] =	dma.local @!p0 [hbm:s0], s1  }
0x27: {  	s0 =	simm.s32 @!p0 $0x1  }
0x28: {  	_ =	swait.ge @!p0 [sflag:s0], s1  }
0x29: {  	s1 =	ssub.s32 @!p0 $0x0, s1;
	[sflag:s0] =	ssyncset.done @!p0 $0x0  }
0x2a: {  	[sflag:s0] =	ssyncadd.s32 @!p0 s1  }
0x2b: {  	[bflag:$0x3] =	sbarrier.arrive $0xFFFF  }
0x2c: {  	_ =	shalt  }

</sc_bundles>
